<compile_context>
chip_gen: v7x
topology: tpu7x:2x2x1
jax: 0.10.2.dev20260603
libtpu: 0.0.44.dev20260713+nightly
codegen_flags: <defaults>
</compile_context>

<pallas_src>
import functools

import jax
import jax.numpy as jnp
import numpy as np
from jax import lax
from jax.experimental import pallas as pl
from jax.experimental.pallas import tpu as pltpu
from jax.experimental.pallas import tpu_sc as plsc

_G = 96
_LW = 128

_RP384 = np.array([
    2,3,5,6,8,9,13,14,17,18,22,23,24,25,30,31,33,34,38,39,41,42,45,47,48,51,
    53,54,56,57,60,61,65,66,68,70,73,75,77,79,80,81,85,87,89,91,94,95,96,99,
    101,103,104,105,110,111,112,114,116,117,121,123,125,127,128,129,133,135,
    137,139,140,141,144,146,148,150,152,154,156,157,161,163,164,166,169,171,
    174,175,178,179,180,181,185,186,189,190,194,195,196,198,200,203,204,206,
    209,211,214,215,216,218,221,223,224,227,229,230,232,233,237,239,241,242,
    244,246,250,251,254,255,256,257,262,263,266,267,268,271,273,274,276,279,
    282,283,284,287,289,291,293,294,296,298,300,303,304,307,308,310,313,315,
    317,318,320,323,325,326,330,331,332,334,338,339,341,342,344,346,349,350,
    353,355,357,358,362,363,366,367,368,369,373,374,377,379,381,382],
    dtype=np.int64)
_CQ384 = np.array([
    1,3,5,6,8,9,13,14,17,18,21,23,24,25,29,30,32,34,36,39,42,43,45,47,48,49,
    52,54,56,59,60,63,64,67,69,70,74,75,76,77,81,82,85,86,90,91,93,94,96,97,
    100,102,104,106,108,111,113,114,116,118,120,121,126,127,130,131,132,135,
    136,139,140,143,146,147,149,151,152,155,156,157,160,163,164,165,168,169,
    173,174,178,179,180,183,184,186,188,189,193,195,196,199,200,203,204,207,
    209,211,212,213,217,219,221,222,224,225,228,229,232,233,236,239,240,241,
    245,247,248,251,253,255,256,257,262,263,264,266,269,271,274,275,277,278,
    281,283,286,287,288,289,293,295,296,298,300,301,304,306,308,309,312,313,
    316,317,320,321,325,326,330,331,333,335,337,339,342,343,344,347,348,350,
    352,353,357,359,361,362,364,367,369,371,372,375,376,377,381,383],
    dtype=np.int64)


@functools.cache
def _make_sc_gather(R, S, NO, nwb, nob):
    info = plsc.get_sparse_core_info()
    nc, ns = info.num_cores, info.num_subcores
    nw = nc * ns
    rows_per = R // nw
    nchunks = rows_per // _G
    assert rows_per % _G == 0 and R % nw == 0 and NO % 16 == 0
    assert nchunks % 2 == 0
    mesh = plsc.VectorSubcoreMesh(core_axis_name="c", subcore_axis_name="s")

    @functools.partial(
        pl.kernel,
        mesh=mesh,
        compiler_params=pltpu.CompilerParams(
            needs_layout_passes=False, use_tc_tiling_on_sc=False),
        out_type=jax.ShapeDtypeStruct((S, _LW), jnp.float32),
        scratch_types=[
            pltpu.VMEM((nwb, _G), jnp.int32),
            pltpu.VMEM((nwb, _G), jnp.int32),
            pltpu.VMEM((nob, _G), jnp.int32),
            pltpu.VMEM((nob, _G), jnp.int32),
            pltpu.VMEM((NO,), jnp.int32),
            pltpu.VMEM((nwb, _G, _LW), jnp.float32),
            pltpu.VMEM((nwb, _G, _LW), jnp.float32),
            pltpu.VMEM((nob, _G, _LW), jnp.float32),
            pltpu.VMEM((nob, _G, _LW), jnp.float32),
            pltpu.SemaphoreType.DMA,
            pltpu.SemaphoreType.DMA,
            pltpu.SemaphoreType.DMA,
            pltpu.SemaphoreType.DMA,
        ],
    )
    def body(seg, sidx, soidx, cqm, out, idx_a, idx_b, oidx_a, oidx_b, cq_v,
             rows_a, rows_b, oseg_a, oseg_b, isem_a, isem_b, osem_a, osem_b):
        wid = lax.axis_index("s") * nc + lax.axis_index("c")
        chunk0 = wid * nchunks
        idxs = (idx_a, idx_b)
        oidxs = (oidx_a, oidx_b)
        rows = (rows_a, rows_b)
        osegs = (oseg_a, oseg_b)
        isems = (isem_a, isem_b)
        osems = (osem_a, osem_b)
        pltpu.sync_copy(cqm, cq_v)
        cqv = [cq_v[pl.ds(16 * j, 16)] for j in range(NO // 16)]

        def start_in(t, b):
            pltpu.sync_copy(sidx.at[chunk0 + t], idxs[b])
            for k in range(nwb):
                pltpu.async_copy(seg.at[idxs[b].at[k]], rows[b].at[k],
                                 isems[b])

        def wait_in(b):
            for k in range(nwb):
                pltpu.make_async_copy(seg.at[idxs[b].at[k]], rows[b].at[k],
                                      isems[b]).wait()

        def start_out(b):
            for k in range(nob):
                pltpu.async_copy(osegs[b].at[k], out.at[oidxs[b].at[k]],
                                 osems[b])

        def wait_out(b):
            for k in range(nob):
                pltpu.make_async_copy(osegs[b].at[k], out.at[oidxs[b].at[k]],
                                      osems[b]).wait()

        start_in(0, 0)

        def pair(tt, carry):
            for b in range(2):
                t = tt * 2 + b
                wait_in(b)

                @pl.when(t + 1 < nchunks)
                def _():
                    start_in(t + 1, 1 - b)

                @pl.when(t >= 2)
                def _():
                    wait_out(b)

                pltpu.sync_copy(soidx.at[chunk0 + t], oidxs[b])

                @plsc.parallel_loop(0, _G, 1, unroll=2)
                def _row(g):
                    gs = jnp.full((16,), g, jnp.int32)
                    for j in range(NO // 16):
                        ks = jnp.full((16,), j // 4, jnp.int32)
                        v = plsc.load_gather(rows[b], [ks, gs, cqv[j]])
                        osegs[b][j // 8, g, pl.ds(16 * (j % 8), 16)] = v

                start_out(b)
            return carry

        lax.fori_loop(0, nchunks // 2, pair, 0)
        for b in range(2):
            wait_out(b)

    return body


def kernel(x):
    B, C, H, W = x.shape
    assert (H, W) == (384, 384)
    r_p, c_q = _RP384, _CQ384
    nr, no = r_p.shape[0], c_q.shape[0]
    planes = B * C
    nwb = W // _LW
    nob = (no + _LW - 1) // _LW
    nh = H // 8
    noh = nr // 8
    R = planes * nr
    S = planes * noh * nob * 8
    nchunks_total = R // _G

    seg = (x.reshape(B, C, nh, 8, nwb, _LW)
           .transpose(0, 1, 2, 4, 3, 5)
           .reshape(planes * nh * nwb * 8, _LW))

    r = np.arange(R, dtype=np.int64)
    p, i = r // nr, r % nr
    h = r_p[i]
    sid = (((p * nh + h // 8) * nwb)[None, :]
           + np.arange(nwb, dtype=np.int64)[:, None]) * 8 + (h % 8)[None, :]
    sid = (sid.reshape(nwb, nchunks_total, _G).transpose(1, 0, 2)
           .astype(np.int32))

    soid = (((p * noh + i // 8) * nob)[None, :]
            + np.arange(nob, dtype=np.int64)[:, None]) * 8 + (i % 8)[None, :]
    soid = (soid.reshape(nob, nchunks_total, _G).transpose(1, 0, 2)
            .astype(np.int32))

    assert np.all(c_q // _LW == np.arange(no) // (no // nwb))
    cqm = (c_q % _LW).astype(np.int32)

    y = _make_sc_gather(R, S, no, nwb, nob)(
        seg, jnp.asarray(sid), jnp.asarray(soid), jnp.asarray(cqm))
    y = (y.reshape(B, C, noh, nob, 8, _LW)
         .transpose(0, 1, 2, 4, 3, 5)
         .reshape(B, C, nr, nob * _LW))
    return y[:, :, :, :no]

# --- scband reference (transcript-rebuilt; emitter-appended) ---
"""Pipeline reference for scband-sp3-pooling2d-17703855194493 (READ-ONLY COPY).

The authoritative reference and input builder live on the scoring server;
editing this copy changes nothing except your own understanding.
"""

import jax, jax.numpy as jnp
import numpy as np
import math

GRID = 4
STRIDE = 2

def _sample_idx(key, size, grid, m):
    # For each grid block p, sample m distinct offsets in [0, grid) (torch.multinomial
    # over uniform weights without replacement), add p*grid, concat, sort, clamp.
    nblocks = math.ceil(size / grid)
    keys = jax.random.split(key, nblocks)
    perms = jax.vmap(lambda k: jax.random.permutation(k, grid)[:m])(keys)
    idx = (perms + jnp.arange(nblocks)[:, None] * grid).reshape(-1)
    return jnp.clip(jnp.sort(idx), 0, size - 1)

def setup_inputs(seed: int = 0) -> dict:
    key = jax.random.key(seed)
    x = jax.random.normal(key, (8, 96, 384, 384), dtype=jnp.float32)
    return {"x": x}

def reference(x):
    B, C, H, W = x.shape
    m = GRID // STRIDE
    kr, kc = jax.random.split(jax.random.key(42))
    r_p = _sample_idx(kr, H, GRID, m)
    c_q = _sample_idx(kc, W, GRID, m)
    # F.adaptive_max_pool2d(x, (H, W)) on an (H, W) input is the identity (1x1 windows).
    # Note: the original code uses r_p * H (not W); faithful here, and H == W anyway.
    idxs = (r_p[:, None] * H + c_q[None, :]).reshape(-1)
    gathered = jnp.take(x.reshape(B, C, H * W), idxs, axis=2)
    return gathered.reshape(B, C, r_p.shape[0], c_q.shape[0])

if __name__ == "__main__":
    import jax
    _d = setup_inputs()
    print(jax.jit(kernel)(*tuple(_d.values())))

</pallas_src>

<mosaic_0001>
#map = affine_map<(d0, d1) -> (0, 0)>
#map1 = affine_map<(d0, d1) -> (0, 0, 0)>
#map2 = affine_map<(d0, d1) -> (0)>
module attributes {stable_mosaic.version = 14 : i64} {
  func.func @body(%arg0: i32, %arg1: i32, %arg2: memref<884736x128xf32, #tpu.memory_space<hbm>>, %arg3: memref<1536x3x96xi32, #tpu.memory_space<hbm>>, %arg4: memref<1536x2x96xi32, #tpu.memory_space<hbm>>, %arg5: memref<192xi32, #tpu.memory_space<hbm>>, %arg6: memref<294912x128xf32, #tpu.memory_space<hbm>>, %arg7: memref<3x96xi32, #tpu.memory_space<vmem>>, %arg8: memref<3x96xi32, #tpu.memory_space<vmem>>, %arg9: memref<2x96xi32, #tpu.memory_space<vmem>>, %arg10: memref<2x96xi32, #tpu.memory_space<vmem>>, %arg11: memref<192xi32, #tpu.memory_space<vmem>>, %arg12: memref<3x96x128xf32, #tpu.memory_space<vmem>>, %arg13: memref<3x96x128xf32, #tpu.memory_space<vmem>>, %arg14: memref<2x96x128xf32, #tpu.memory_space<vmem>>, %arg15: memref<2x96x128xf32, #tpu.memory_space<vmem>>, %arg16: memref<!tpu.dma_semaphore, #tpu.memory_space<semaphore_mem>>, %arg17: memref<!tpu.dma_semaphore, #tpu.memory_space<semaphore_mem>>, %arg18: memref<!tpu.dma_semaphore, #tpu.memory_space<semaphore_mem>>, %arg19: memref<!tpu.dma_semaphore, #tpu.memory_space<semaphore_mem>>) attributes {dimension_semantics = [#tpu.dimension_semantics<core_parallel>, #tpu.dimension_semantics<subcore_parallel>], iteration_bounds = array<i64: 2, 16>, scalar_prefetch = 0 : i64, scratch_operands = 13 : i64, tpu.core_type = #tpu.core_type<sc_vector_subcore>, window_params = [{transform_indices = #map}, {transform_indices = #map1}, {transform_indices = #map1}, {transform_indices = #map2}, {transform_indices = #map}]} {
    %mul3A = arith.constant 2 : i32
    %mul3A_0 = arith.muli %arg1, %mul3A : i32
    %add3A = arith.addi %mul3A_0, %arg0 : i32
    %mul3A_1 = arith.constant 48 : i32
    %mul3A_2 = arith.muli %add3A, %mul3A_1 : i32
    "tpu.region"() ({
      %run_scoped3A = tpu.sem_alloc : memref<!tpu.dma_semaphore, #tpu.memory_space<semaphore_mem>>
      tpu.enqueue_dma source(%arg5 : memref<192xi32, #tpu.memory_space<hbm>>) target(%arg11 : memref<192xi32, #tpu.memory_space<vmem>>) target_semaphore(%run_scoped3A : memref<!tpu.dma_semaphore, #tpu.memory_space<semaphore_mem>>)
      tpu.wait_dma2 semaphore(%run_scoped3A : memref<!tpu.dma_semaphore, #tpu.memory_space<semaphore_mem>>) src(%arg5 : memref<192xi32, #tpu.memory_space<hbm>>) dst(%arg11 : memref<192xi32, #tpu.memory_space<vmem>>)
      tpu.yield
    }) : () -> ()
    %get3A = arith.constant 0 : index
    %get3A_3 = tpu.vector_load %arg11[%get3A] {strides = array<i32>} : memref<192xi32, #tpu.memory_space<vmem>>, vector<16xi32>,
    %get3A_4 = arith.constant 16 : index
    %get3A_5 = tpu.vector_load %arg11[%get3A_4] {strides = array<i32>} : memref<192xi32, #tpu.memory_space<vmem>>, vector<16xi32>,
    %get3A_6 = arith.constant 32 : index
    %get3A_7 = tpu.vector_load %arg11[%get3A_6] {strides = array<i32>} : memref<192xi32, #tpu.memory_space<vmem>>, vector<16xi32>,
    %get3A_8 = arith.constant 48 : index
    %get3A_9 = tpu.vector_load %arg11[%get3A_8] {strides = array<i32>} : memref<192xi32, #tpu.memory_space<vmem>>, vector<16xi32>,
    %get3A_10 = arith.constant 64 : index
    %get3A_11 = tpu.vector_load %arg11[%get3A_10] {strides = array<i32>} : memref<192xi32, #tpu.memory_space<vmem>>, vector<16xi32>,
    %get3A_12 = arith.constant 80 : index
    %get3A_13 = tpu.vector_load %arg11[%get3A_12] {strides = array<i32>} : memref<192xi32, #tpu.memory_space<vmem>>, vector<16xi32>,
    %get3A_14 = arith.constant 96 : index
    %get3A_15 = tpu.vector_load %arg11[%get3A_14] {strides = array<i32>} : memref<192xi32, #tpu.memory_space<vmem>>, vector<16xi32>,
    %get3A_16 = arith.constant 112 : index
    %get3A_17 = tpu.vector_load %arg11[%get3A_16] {strides = array<i32>} : memref<192xi32, #tpu.memory_space<vmem>>, vector<16xi32>,
    %get3A_18 = arith.constant 128 : index
    %get3A_19 = tpu.vector_load %arg11[%get3A_18] {strides = array<i32>} : memref<192xi32, #tpu.memory_space<vmem>>, vector<16xi32>,
    %get3A_20 = arith.constant 144 : index
    %get3A_21 = tpu.vector_load %arg11[%get3A_20] {strides = array<i32>} : memref<192xi32, #tpu.memory_space<vmem>>, vector<16xi32>,
    %get3A_22 = arith.constant 160 : index
    %get3A_23 = tpu.vector_load %arg11[%get3A_22] {strides = array<i32>} : memref<192xi32, #tpu.memory_space<vmem>>, vector<16xi32>,
    %get3A_24 = arith.constant 176 : index
    %get3A_25 = tpu.vector_load %arg11[%get3A_24] {strides = array<i32>} : memref<192xi32, #tpu.memory_space<vmem>>, vector<16xi32>,
    %add3A_26 = arith.constant 0 : i32
    %add3A_27 = arith.addi %mul3A_2, %add3A_26 : i32
    "tpu.region"() ({
      %run_scoped3A = tpu.sem_alloc : memref<!tpu.dma_semaphore, #tpu.memory_space<semaphore_mem>>
      %dma_start3A_115 = arith.constant 0 : i32
      %dma_start3A_116 = arith.constant 0 : i32
      %dma_start3A_117 = tpu.memref_slice %arg3[%add3A_27, %dma_start3A_115, %dma_start3A_116] : memref<1536x3x96xi32, #tpu.memory_space<hbm>> -> memref<1x3x96xi32, #tpu.memory_space<hbm>>
      %dma_start3A_118 = tpu.memref_squeeze %dma_start3A_117 : memref<1x3x96xi32, #tpu.memory_space<hbm>> -> memref<3x96xi32, #tpu.memory_space<hbm>>
      %dma_start3A_119 = arith.constant 0 : i32
      %dma_start3A_120 = arith.constant 0 : i32
      %dma_start3A_121 = tpu.memref_slice %arg3[%add3A_27, %dma_start3A_119, %dma_start3A_120] : memref<1536x3x96xi32, #tpu.memory_space<hbm>> -> memref<1x3x96xi32, #tpu.memory_space<hbm>>
      %dma_start3A_122 = tpu.memref_squeeze %dma_start3A_121 : memref<1x3x96xi32, #tpu.memory_space<hbm>> -> memref<3x96xi32, #tpu.memory_space<hbm>>
      tpu.enqueue_dma source(%dma_start3A_122 : memref<3x96xi32, #tpu.memory_space<hbm>>) target(%arg7 : memref<3x96xi32, #tpu.memory_space<vmem>>) target_semaphore(%run_scoped3A : memref<!tpu.dma_semaphore, #tpu.memory_space<semaphore_mem>>)
      %dma_wait3A_123 = arith.constant 0 : i32
      %dma_wait3A_124 = arith.constant 0 : i32
      %dma_wait3A_125 = tpu.memref_slice %arg3[%add3A_27, %dma_wait3A_123, %dma_wait3A_124] : memref<1536x3x96xi32, #tpu.memory_space<hbm>> -> memref<1x3x96xi32, #tpu.memory_space<hbm>>
      %dma_wait3A_126 = tpu.memref_squeeze %dma_wait3A_125 : memref<1x3x96xi32, #tpu.memory_space<hbm>> -> memref<3x96xi32, #tpu.memory_space<hbm>>
      %dma_wait3A_127 = arith.constant 0 : i32
      %dma_wait3A_128 = arith.constant 0 : i32
      %dma_wait3A_129 = tpu.memref_slice %arg3[%add3A_27, %dma_wait3A_127, %dma_wait3A_128] : memref<1536x3x96xi32, #tpu.memory_space<hbm>> -> memref<1x3x96xi32, #tpu.memory_space<hbm>>
      %dma_wait3A_130 = tpu.memref_squeeze %dma_wait3A_129 : memref<1x3x96xi32, #tpu.memory_space<hbm>> -> memref<3x96xi32, #tpu.memory_space<hbm>>
      tpu.wait_dma2 semaphore(%run_scoped3A : memref<!tpu.dma_semaphore, #tpu.memory_space<semaphore_mem>>) src(%dma_wait3A_130 : memref<3x96xi32, #tpu.memory_space<hbm>>) dst(%arg7 : memref<3x96xi32, #tpu.memory_space<vmem>>)
      tpu.yield
    }) : () -> ()
    %dma_start3A = arith.constant 0 : i32
    %dma_start3A_28 = arith.constant 0 : i32
    %dma_start3A_29 = arith.constant 0 : i32
    %dma_start3A_30 = arith.constant 0 : i32
    %dma_start3A_31 = tpu.memref_slice %arg12[%dma_start3A_28, %dma_start3A_29, %dma_start3A_30] : memref<3x96x128xf32, #tpu.memory_space<vmem>> -> memref<1x96x128xf32, #tpu.memory_space<vmem>>
    %dma_start3A_32 = tpu.memref_squeeze %dma_start3A_31 : memref<1x96x128xf32, #tpu.memory_space<vmem>> -> memref<96x128xf32, #tpu.memory_space<vmem>>
    %dma_start3A_33 = arith.constant 0 : i32
    %dma_start3A_34 = tpu.memref_slice %arg7[%dma_start3A, %dma_start3A_33] : memref<3x96xi32, #tpu.memory_space<vmem>> -> memref<1x96xi32, #tpu.memory_space<vmem>>
    %dma_start3A_35 = tpu.memref_squeeze %dma_start3A_34 : memref<1x96xi32, #tpu.memory_space<vmem>> -> memref<96xi32, #tpu.memory_space<vmem>>
    %dma_start3A_36 = arith.constant 0 : i32
    %dma_start3A_37 = arith.constant 0 : i32
    %dma_start3A_38 = tpu.memref_slice %arg2[%dma_start3A_36, %dma_start3A_37] : memref<884736x128xf32, #tpu.memory_space<hbm>> -> memref<884736x128xf32, #tpu.memory_space<hbm>>
    tpu.enqueue_indirect_dma source(%dma_start3A_38 : memref<884736x128xf32, #tpu.memory_space<hbm>>) target(%dma_start3A_32 : memref<96x128xf32, #tpu.memory_space<vmem>>) offsets(%dma_start3A_35 : memref<96xi32, #tpu.memory_space<vmem>>) semaphore(%arg16 : memref<!tpu.dma_semaphore, #tpu.memory_space<semaphore_mem>>)
    %dma_start3A_39 = arith.constant 1 : i32
    %dma_start3A_40 = arith.constant 1 : i32
    %dma_start3A_41 = arith.constant 0 : i32
    %dma_start3A_42 = arith.constant 0 : i32
    %dma_start3A_43 = tpu.memref_slice %arg12[%dma_start3A_40, %dma_start3A_41, %dma_start3A_42] : memref<3x96x128xf32, #tpu.memory_space<vmem>> -> memref<1x96x128xf32, #tpu.memory_space<vmem>>
    %dma_start3A_44 = tpu.memref_squeeze %dma_start3A_43 : memref<1x96x128xf32, #tpu.memory_space<vmem>> -> memref<96x128xf32, #tpu.memory_space<vmem>>
    %dma_start3A_45 = arith.constant 0 : i32
    %dma_start3A_46 = tpu.memref_slice %arg7[%dma_start3A_39, %dma_start3A_45] : memref<3x96xi32, #tpu.memory_space<vmem>> -> memref<1x96xi32, #tpu.memory_space<vmem>>
    %dma_start3A_47 = tpu.memref_squeeze %dma_start3A_46 : memref<1x96xi32, #tpu.memory_space<vmem>> -> memref<96xi32, #tpu.memory_space<vmem>>
    %dma_start3A_48 = arith.constant 0 : i32
    %dma_start3A_49 = arith.constant 0 : i32
    %dma_start3A_50 = tpu.memref_slice %arg2[%dma_start3A_48, %dma_start3A_49] : memref<884736x128xf32, #tpu.memory_space<hbm>> -> memref<884736x128xf32, #tpu.memory_space<hbm>>
    tpu.enqueue_indirect_dma source(%dma_start3A_50 : memref<884736x128xf32, #tpu.memory_space<hbm>>) target(%dma_start3A_44 : memref<96x128xf32, #tpu.memory_space<vmem>>) offsets(%dma_start3A_47 : memref<96xi32, #tpu.memory_space<vmem>>) semaphore(%arg16 : memref<!tpu.dma_semaphore, #tpu.memory_space<semaphore_mem>>)
    %dma_start3A_51 = arith.constant 2 : i32
    %dma_start3A_52 = arith.constant 2 : i32
    %dma_start3A_53 = arith.constant 0 : i32
    %dma_start3A_54 = arith.constant 0 : i32
    %dma_start3A_55 = tpu.memref_slice %arg12[%dma_start3A_52, %dma_start3A_53, %dma_start3A_54] : memref<3x96x128xf32, #tpu.memory_space<vmem>> -> memref<1x96x128xf32, #tpu.memory_space<vmem>>
    %dma_start3A_56 = tpu.memref_squeeze %dma_start3A_55 : memref<1x96x128xf32, #tpu.memory_space<vmem>> -> memref<96x128xf32, #tpu.memory_space<vmem>>
    %dma_start3A_57 = arith.constant 0 : i32
    %dma_start3A_58 = tpu.memref_slice %arg7[%dma_start3A_51, %dma_start3A_57] : memref<3x96xi32, #tpu.memory_space<vmem>> -> memref<1x96xi32, #tpu.memory_space<vmem>>
    %dma_start3A_59 = tpu.memref_squeeze %dma_start3A_58 : memref<1x96xi32, #tpu.memory_space<vmem>> -> memref<96xi32, #tpu.memory_space<vmem>>
    %dma_start3A_60 = arith.constant 0 : i32
    %dma_start3A_61 = arith.constant 0 : i32
    %dma_start3A_62 = tpu.memref_slice %arg2[%dma_start3A_60, %dma_start3A_61] : memref<884736x128xf32, #tpu.memory_space<hbm>> -> memref<884736x128xf32, #tpu.memory_space<hbm>>
    tpu.enqueue_indirect_dma source(%dma_start3A_62 : memref<884736x128xf32, #tpu.memory_space<hbm>>) target(%dma_start3A_56 : memref<96x128xf32, #tpu.memory_space<vmem>>) offsets(%dma_start3A_59 : memref<96xi32, #tpu.memory_space<vmem>>) semaphore(%arg16 : memref<!tpu.dma_semaphore, #tpu.memory_space<semaphore_mem>>)
    %scan3A = arith.constant 0 : i32
    %scan3A_63 = arith.constant 0 : i32
    %scan3A_64 = arith.constant 24 : i32
    %scan3A_65 = arith.addi %scan3A_63, %scan3A_64 : i32
    %scan3A_66 = arith.constant 1 : i32
    scf.for %scan3A_115 = %scan3A_63 to %scan3A_65 step %scan3A_66  : i32 {
      %mul3A_116 = arith.constant 2 : i32
      %mul3A_117 = arith.muli %scan3A_115, %mul3A_116 : i32
      %add3A_118 = arith.constant 0 : i32
      %add3A_119 = arith.addi %mul3A_117, %add3A_118 : i32
      %dma_wait3A_120 = arith.constant 0 : i32
      %dma_wait3A_121 = arith.constant 0 : i32
      %dma_wait3A_122 = arith.constant 0 : i32
      %dma_wait3A_123 = arith.constant 0 : i32
      %dma_wait3A_124 = tpu.memref_slice %arg12[%dma_wait3A_121, %dma_wait3A_122, %dma_wait3A_123] : memref<3x96x128xf32, #tpu.memory_space<vmem>> -> memref<1x96x128xf32, #tpu.memory_space<vmem>>
      %dma_wait3A_125 = tpu.memref_squeeze %dma_wait3A_124 : memref<1x96x128xf32, #tpu.memory_space<vmem>> -> memref<96x128xf32, #tpu.memory_space<vmem>>
      %dma_wait3A_126 = arith.constant 0 : i32
      %dma_wait3A_127 = tpu.memref_slice %arg7[%dma_wait3A_120, %dma_wait3A_126] : memref<3x96xi32, #tpu.memory_space<vmem>> -> memref<1x96xi32, #tpu.memory_space<vmem>>
      %dma_wait3A_128 = tpu.memref_squeeze %dma_wait3A_127 : memref<1x96xi32, #tpu.memory_space<vmem>> -> memref<96xi32, #tpu.memory_space<vmem>>
      %dma_wait3A_129 = arith.constant 0 : i32
      %dma_wait3A_130 = arith.constant 0 : i32
      %dma_wait3A_131 = tpu.memref_slice %arg2[%dma_wait3A_129, %dma_wait3A_130] : memref<884736x128xf32, #tpu.memory_space<hbm>> -> memref<884736x128xf32, #tpu.memory_space<hbm>>
      tpu.wait_indirect_dma semaphore(%arg16 : memref<!tpu.dma_semaphore, #tpu.memory_space<semaphore_mem>>) src(%dma_wait3A_131 : memref<884736x128xf32, #tpu.memory_space<hbm>>) dst(%dma_wait3A_125 : memref<96x128xf32, #tpu.memory_space<vmem>>)
      %dma_wait3A_132 = arith.constant 1 : i32
      %dma_wait3A_133 = arith.constant 1 : i32
      %dma_wait3A_134 = arith.constant 0 : i32
      %dma_wait3A_135 = arith.constant 0 : i32
      %dma_wait3A_136 = tpu.memref_slice %arg12[%dma_wait3A_133, %dma_wait3A_134, %dma_wait3A_135] : memref<3x96x128xf32, #tpu.memory_space<vmem>> -> memref<1x96x128xf32, #tpu.memory_space<vmem>>
      %dma_wait3A_137 = tpu.memref_squeeze %dma_wait3A_136 : memref<1x96x128xf32, #tpu.memory_space<vmem>> -> memref<96x128xf32, #tpu.memory_space<vmem>>
      %dma_wait3A_138 = arith.constant 0 : i32
      %dma_wait3A_139 = tpu.memref_slice %arg7[%dma_wait3A_132, %dma_wait3A_138] : memref<3x96xi32, #tpu.memory_space<vmem>> -> memref<1x96xi32, #tpu.memory_space<vmem>>
      %dma_wait3A_140 = tpu.memref_squeeze %dma_wait3A_139 : memref<1x96xi32, #tpu.memory_space<vmem>> -> memref<96xi32, #tpu.memory_space<vmem>>
      %dma_wait3A_141 = arith.constant 0 : i32
      %dma_wait3A_142 = arith.constant 0 : i32
      %dma_wait3A_143 = tpu.memref_slice %arg2[%dma_wait3A_141, %dma_wait3A_142] : memref<884736x128xf32, #tpu.memory_space<hbm>> -> memref<884736x128xf32, #tpu.memory_space<hbm>>
      tpu.wait_indirect_dma semaphore(%arg16 : memref<!tpu.dma_semaphore, #tpu.memory_space<semaphore_mem>>) src(%dma_wait3A_143 : memref<884736x128xf32, #tpu.memory_space<hbm>>) dst(%dma_wait3A_137 : memref<96x128xf32, #tpu.memory_space<vmem>>)
      %dma_wait3A_144 = arith.constant 2 : i32
      %dma_wait3A_145 = arith.constant 2 : i32
      %dma_wait3A_146 = arith.constant 0 : i32
      %dma_wait3A_147 = arith.constant 0 : i32
      %dma_wait3A_148 = tpu.memref_slice %arg12[%dma_wait3A_145, %dma_wait3A_146, %dma_wait3A_147] : memref<3x96x128xf32, #tpu.memory_space<vmem>> -> memref<1x96x128xf32, #tpu.memory_space<vmem>>
      %dma_wait3A_149 = tpu.memref_squeeze %dma_wait3A_148 : memref<1x96x128xf32, #tpu.memory_space<vmem>> -> memref<96x128xf32, #tpu.memory_space<vmem>>
      %dma_wait3A_150 = arith.constant 0 : i32
      %dma_wait3A_151 = tpu.memref_slice %arg7[%dma_wait3A_144, %dma_wait3A_150] : memref<3x96xi32, #tpu.memory_space<vmem>> -> memref<1x96xi32, #tpu.memory_space<vmem>>
      %dma_wait3A_152 = tpu.memref_squeeze %dma_wait3A_151 : memref<1x96xi32, #tpu.memory_space<vmem>> -> memref<96xi32, #tpu.memory_space<vmem>>
      %dma_wait3A_153 = arith.constant 0 : i32
      %dma_wait3A_154 = arith.constant 0 : i32
      %dma_wait3A_155 = tpu.memref_slice %arg2[%dma_wait3A_153, %dma_wait3A_154] : memref<884736x128xf32, #tpu.memory_space<hbm>> -> memref<884736x128xf32, #tpu.memory_space<hbm>>
      tpu.wait_indirect_dma semaphore(%arg16 : memref<!tpu.dma_semaphore, #tpu.memory_space<semaphore_mem>>) src(%dma_wait3A_155 : memref<884736x128xf32, #tpu.memory_space<hbm>>) dst(%dma_wait3A_149 : memref<96x128xf32, #tpu.memory_space<vmem>>)
      %add3A_156 = arith.constant 1 : i32
      %add3A_157 = arith.addi %add3A_119, %add3A_156 : i32
      %lt3A = arith.constant 48 : i32
      %lt3A_158 = arith.cmpi slt, %add3A_157, %lt3A : i32
      %convert_element_type3A = arith.extui %lt3A_158 : i1 to i32
      %cond3A = arith.constant 0 : i32
      %cond3A_159 = arith.cmpi ne, %convert_element_type3A, %cond3A : i32
      scf.if %cond3A_159 {
        %add3A_271 = arith.constant 1 : i32
        %add3A_272 = arith.addi %add3A_119, %add3A_271 : i32
        %add3A_273 = arith.addi %mul3A_2, %add3A_272 : i32
        "tpu.region"() ({
          %run_scoped3A = tpu.sem_alloc : memref<!tpu.dma_semaphore, #tpu.memory_space<semaphore_mem>>
          %dma_start3A_310 = arith.constant 0 : i32
          %dma_start3A_311 = arith.constant 0 : i32
          %dma_start3A_312 = tpu.memref_slice %arg3[%add3A_273, %dma_start3A_310, %dma_start3A_311] : memref<1536x3x96xi32, #tpu.memory_space<hbm>> -> memref<1x3x96xi32, #tpu.memory_space<hbm>>
          %dma_start3A_313 = tpu.memref_squeeze %dma_start3A_312 : memref<1x3x96xi32, #tpu.memory_space<hbm>> -> memref<3x96xi32, #tpu.memory_space<hbm>>
          %dma_start3A_314 = arith.constant 0 : i32
          %dma_start3A_315 = arith.constant 0 : i32
          %dma_start3A_316 = tpu.memref_slice %arg3[%add3A_273, %dma_start3A_314, %dma_start3A_315] : memref<1536x3x96xi32, #tpu.memory_space<hbm>> -> memref<1x3x96xi32, #tpu.memory_space<hbm>>
          %dma_start3A_317 = tpu.memref_squeeze %dma_start3A_316 : memref<1x3x96xi32, #tpu.memory_space<hbm>> -> memref<3x96xi32, #tpu.memory_space<hbm>>
          tpu.enqueue_dma source(%dma_start3A_317 : memref<3x96xi32, #tpu.memory_space<hbm>>) target(%arg8 : memref<3x96xi32, #tpu.memory_space<vmem>>) target_semaphore(%run_scoped3A : memref<!tpu.dma_semaphore, #tpu.memory_space<semaphore_mem>>)
          %dma_wait3A_318 = arith.constant 0 : i32
          %dma_wait3A_319 = arith.constant 0 : i32
          %dma_wait3A_320 = tpu.memref_slice %arg3[%add3A_273, %dma_wait3A_318, %dma_wait3A_319] : memref<1536x3x96xi32, #tpu.memory_space<hbm>> -> memref<1x3x96xi32, #tpu.memory_space<hbm>>
          %dma_wait3A_321 = tpu.memref_squeeze %dma_wait3A_320 : memref<1x3x96xi32, #tpu.memory_space<hbm>> -> memref<3x96xi32, #tpu.memory_space<hbm>>
          %dma_wait3A_322 = arith.constant 0 : i32
          %dma_wait3A_323 = arith.constant 0 : i32
          %dma_wait3A_324 = tpu.memref_slice %arg3[%add3A_273, %dma_wait3A_322, %dma_wait3A_323] : memref<1536x3x96xi32, #tpu.memory_space<hbm>> -> memref<1x3x96xi32, #tpu.memory_space<hbm>>
          %dma_wait3A_325 = tpu.memref_squeeze %dma_wait3A_324 : memref<1x3x96xi32, #tpu.memory_space<hbm>> -> memref<3x96xi32, #tpu.memory_space<hbm>>
          tpu.wait_dma2 semaphore(%run_scoped3A : memref<!tpu.dma_semaphore, #tpu.memory_space<semaphore_mem>>) src(%dma_wait3A_325 : memref<3x96xi32, #tpu.memory_space<hbm>>) dst(%arg8 : memref<3x96xi32, #tpu.memory_space<vmem>>)
          tpu.yield
        }) : () -> ()
        %dma_start3A_274 = arith.constant 0 : i32
        %dma_start3A_275 = arith.constant 0 : i32
        %dma_start3A_276 = arith.constant 0 : i32
        %dma_start3A_277 = arith.constant 0 : i32
        %dma_start3A_278 = tpu.memref_slice %arg13[%dma_start3A_275, %dma_start3A_276, %dma_start3A_277] : memref<3x96x128xf32, #tpu.memory_space<vmem>> -> memref<1x96x128xf32, #tpu.memory_space<vmem>>
        %dma_start3A_279 = tpu.memref_squeeze %dma_start3A_278 : memref<1x96x128xf32, #tpu.memory_space<vmem>> -> memref<96x128xf32, #tpu.memory_space<vmem>>
        %dma_start3A_280 = arith.constant 0 : i32
        %dma_start3A_281 = tpu.memref_slice %arg8[%dma_start3A_274, %dma_start3A_280] : memref<3x96xi32, #tpu.memory_space<vmem>> -> memref<1x96xi32, #tpu.memory_space<vmem>>
        %dma_start3A_282 = tpu.memref_squeeze %dma_start3A_281 : memref<1x96xi32, #tpu.memory_space<vmem>> -> memref<96xi32, #tpu.memory_space<vmem>>
        %dma_start3A_283 = arith.constant 0 : i32
        %dma_start3A_284 = arith.constant 0 : i32
        %dma_start3A_285 = tpu.memref_slice %arg2[%dma_start3A_283, %dma_start3A_284] : memref<884736x128xf32, #tpu.memory_space<hbm>> -> memref<884736x128xf32, #tpu.memory_space<hbm>>
        tpu.enqueue_indirect_dma source(%dma_start3A_285 : memref<884736x128xf32, #tpu.memory_space<hbm>>) target(%dma_start3A_279 : memref<96x128xf32, #tpu.memory_space<vmem>>) offsets(%dma_start3A_282 : memref<96xi32, #tpu.memory_space<vmem>>) semaphore(%arg17 : memref<!tpu.dma_semaphore, #tpu.memory_space<semaphore_mem>>)
        %dma_start3A_286 = arith.constant 1 : i32
        %dma_start3A_287 = arith.constant 1 : i32
        %dma_start3A_288 = arith.constant 0 : i32
        %dma_start3A_289 = arith.constant 0 : i32
        %dma_start3A_290 = tpu.memref_slice %arg13[%dma_start3A_287, %dma_start3A_288, %dma_start3A_289] : memref<3x96x128xf32, #tpu.memory_space<vmem>> -> memref<1x96x128xf32, #tpu.memory_space<vmem>>
        %dma_start3A_291 = tpu.memref_squeeze %dma_start3A_290 : memref<1x96x128xf32, #tpu.memory_space<vmem>> -> memref<96x128xf32, #tpu.memory_space<vmem>>
        %dma_start3A_292 = arith.constant 0 : i32
        %dma_start3A_293 = tpu.memref_slice %arg8[%dma_start3A_286, %dma_start3A_292] : memref<3x96xi32, #tpu.memory_space<vmem>> -> memref<1x96xi32, #tpu.memory_space<vmem>>
        %dma_start3A_294 = tpu.memref_squeeze %dma_start3A_293 : memref<1x96xi32, #tpu.memory_space<vmem>> -> memref<96xi32, #tpu.memory_space<vmem>>
        %dma_start3A_295 = arith.constant 0 : i32
        %dma_start3A_296 = arith.constant 0 : i32
        %dma_start3A_297 = tpu.memref_slice %arg2[%dma_start3A_295, %dma_start3A_296] : memref<884736x128xf32, #tpu.memory_space<hbm>> -> memref<884736x128xf32, #tpu.memory_space<hbm>>
        tpu.enqueue_indirect_dma source(%dma_start3A_297 : memref<884736x128xf32, #tpu.memory_space<hbm>>) target(%dma_start3A_291 : memref<96x128xf32, #tpu.memory_space<vmem>>) offsets(%dma_start3A_294 : memref<96xi32, #tpu.memory_space<vmem>>) semaphore(%arg17 : memref<!tpu.dma_semaphore, #tpu.memory_space<semaphore_mem>>)
        %dma_start3A_298 = arith.constant 2 : i32
        %dma_start3A_299 = arith.constant 2 : i32
        %dma_start3A_300 = arith.constant 0 : i32
        %dma_start3A_301 = arith.constant 0 : i32
        %dma_start3A_302 = tpu.memref_slice %arg13[%dma_start3A_299, %dma_start3A_300, %dma_start3A_301] : memref<3x96x128xf32, #tpu.memory_space<vmem>> -> memref<1x96x128xf32, #tpu.memory_space<vmem>>
        %dma_start3A_303 = tpu.memref_squeeze %dma_start3A_302 : memref<1x96x128xf32, #tpu.memory_space<vmem>> -> memref<96x128xf32, #tpu.memory_space<vmem>>
        %dma_start3A_304 = arith.constant 0 : i32
        %dma_start3A_305 = tpu.memref_slice %arg8[%dma_start3A_298, %dma_start3A_304] : memref<3x96xi32, #tpu.memory_space<vmem>> -> memref<1x96xi32, #tpu.memory_space<vmem>>
        %dma_start3A_306 = tpu.memref_squeeze %dma_start3A_305 : memref<1x96xi32, #tpu.memory_space<vmem>> -> memref<96xi32, #tpu.memory_space<vmem>>
        %dma_start3A_307 = arith.constant 0 : i32
        %dma_start3A_308 = arith.constant 0 : i32
        %dma_start3A_309 = tpu.memref_slice %arg2[%dma_start3A_307, %dma_start3A_308] : memref<884736x128xf32, #tpu.memory_space<hbm>> -> memref<884736x128xf32, #tpu.memory_space<hbm>>
        tpu.enqueue_indirect_dma source(%dma_start3A_309 : memref<884736x128xf32, #tpu.memory_space<hbm>>) target(%dma_start3A_303 : memref<96x128xf32, #tpu.memory_space<vmem>>) offsets(%dma_start3A_306 : memref<96xi32, #tpu.memory_space<vmem>>) semaphore(%arg17 : memref<!tpu.dma_semaphore, #tpu.memory_space<semaphore_mem>>)
      } else {
      }
      %ge3A = arith.constant 2 : i32
      %ge3A_160 = arith.cmpi sge, %add3A_119, %ge3A : i32
      %convert_element_type3A_161 = arith.extui %ge3A_160 : i1 to i32
      %cond3A_162 = arith.constant 0 : i32
      %cond3A_163 = arith.cmpi ne, %convert_element_type3A_161, %cond3A_162 : i32
      scf.if %cond3A_163 {
        %dma_wait3A_271 = arith.constant 0 : i32
        %dma_wait3A_272 = arith.constant 0 : i32
        %dma_wait3A_273 = arith.constant 0 : i32
        %dma_wait3A_274 = arith.constant 0 : i32
        %dma_wait3A_275 = tpu.memref_slice %arg14[%dma_wait3A_271, %dma_wait3A_273, %dma_wait3A_274] : memref<2x96x128xf32, #tpu.memory_space<vmem>> -> memref<1x96x128xf32, #tpu.memory_space<vmem>>
        %dma_wait3A_276 = tpu.memref_squeeze %dma_wait3A_275 : memref<1x96x128xf32, #tpu.memory_space<vmem>> -> memref<96x128xf32, #tpu.memory_space<vmem>>
        %dma_wait3A_277 = arith.constant 0 : i32
        %dma_wait3A_278 = tpu.memref_slice %arg9[%dma_wait3A_272, %dma_wait3A_277] : memref<2x96xi32, #tpu.memory_space<vmem>> -> memref<1x96xi32, #tpu.memory_space<vmem>>
        %dma_wait3A_279 = tpu.memref_squeeze %dma_wait3A_278 : memref<1x96xi32, #tpu.memory_space<vmem>> -> memref<96xi32, #tpu.memory_space<vmem>>
        %dma_wait3A_280 = arith.constant 0 : i32
        %dma_wait3A_281 = arith.constant 0 : i32
        %dma_wait3A_282 = tpu.memref_slice %arg6[%dma_wait3A_280, %dma_wait3A_281] : memref<294912x128xf32, #tpu.memory_space<hbm>> -> memref<294912x128xf32, #tpu.memory_space<hbm>>
        tpu.wait_indirect_dma semaphore(%arg18 : memref<!tpu.dma_semaphore, #tpu.memory_space<semaphore_mem>>) src(%dma_wait3A_276 : memref<96x128xf32, #tpu.memory_space<vmem>>) dst(%dma_wait3A_282 : memref<294912x128xf32, #tpu.memory_space<hbm>>)
        %dma_wait3A_283 = arith.constant 1 : i32
        %dma_wait3A_284 = arith.constant 1 : i32
        %dma_wait3A_285 = arith.constant 0 : i32
        %dma_wait3A_286 = arith.constant 0 : i32
        %dma_wait3A_287 = tpu.memref_slice %arg14[%dma_wait3A_283, %dma_wait3A_285, %dma_wait3A_286] : memref<2x96x128xf32, #tpu.memory_space<vmem>> -> memref<1x96x128xf32, #tpu.memory_space<vmem>>
        %dma_wait3A_288 = tpu.memref_squeeze %dma_wait3A_287 : memref<1x96x128xf32, #tpu.memory_space<vmem>> -> memref<96x128xf32, #tpu.memory_space<vmem>>
        %dma_wait3A_289 = arith.constant 0 : i32
        %dma_wait3A_290 = tpu.memref_slice %arg9[%dma_wait3A_284, %dma_wait3A_289] : memref<2x96xi32, #tpu.memory_space<vmem>> -> memref<1x96xi32, #tpu.memory_space<vmem>>
        %dma_wait3A_291 = tpu.memref_squeeze %dma_wait3A_290 : memref<1x96xi32, #tpu.memory_space<vmem>> -> memref<96xi32, #tpu.memory_space<vmem>>
        %dma_wait3A_292 = arith.constant 0 : i32
        %dma_wait3A_293 = arith.constant 0 : i32
        %dma_wait3A_294 = tpu.memref_slice %arg6[%dma_wait3A_292, %dma_wait3A_293] : memref<294912x128xf32, #tpu.memory_space<hbm>> -> memref<294912x128xf32, #tpu.memory_space<hbm>>
        tpu.wait_indirect_dma semaphore(%arg18 : memref<!tpu.dma_semaphore, #tpu.memory_space<semaphore_mem>>) src(%dma_wait3A_288 : memref<96x128xf32, #tpu.memory_space<vmem>>) dst(%dma_wait3A_294 : memref<294912x128xf32, #tpu.memory_space<hbm>>)
      } else {
      }
      %add3A_164 = arith.addi %mul3A_2, %add3A_119 : i32
      "tpu.region"() ({
        %run_scoped3A = tpu.sem_alloc : memref<!tpu.dma_semaphore, #tpu.memory_space<semaphore_mem>>
        %dma_start3A_271 = arith.constant 0 : i32
        %dma_start3A_272 = arith.constant 0 : i32
        %dma_start3A_273 = tpu.memref_slice %arg4[%add3A_164, %dma_start3A_271, %dma_start3A_272] : memref<1536x2x96xi32, #tpu.memory_space<hbm>> -> memref<1x2x96xi32, #tpu.memory_space<hbm>>
        %dma_start3A_274 = tpu.memref_squeeze %dma_start3A_273 : memref<1x2x96xi32, #tpu.memory_space<hbm>> -> memref<2x96xi32, #tpu.memory_space<hbm>>
        %dma_start3A_275 = arith.constant 0 : i32
        %dma_start3A_276 = arith.constant 0 : i32
        %dma_start3A_277 = tpu.memref_slice %arg4[%add3A_164, %dma_start3A_275, %dma_start3A_276] : memref<1536x2x96xi32, #tpu.memory_space<hbm>> -> memref<1x2x96xi32, #tpu.memory_space<hbm>>
        %dma_start3A_278 = tpu.memref_squeeze %dma_start3A_277 : memref<1x2x96xi32, #tpu.memory_space<hbm>> -> memref<2x96xi32, #tpu.memory_space<hbm>>
        tpu.enqueue_dma source(%dma_start3A_278 : memref<2x96xi32, #tpu.memory_space<hbm>>) target(%arg9 : memref<2x96xi32, #tpu.memory_space<vmem>>) target_semaphore(%run_scoped3A : memref<!tpu.dma_semaphore, #tpu.memory_space<semaphore_mem>>)
        %dma_wait3A_279 = arith.constant 0 : i32
        %dma_wait3A_280 = arith.constant 0 : i32
        %dma_wait3A_281 = tpu.memref_slice %arg4[%add3A_164, %dma_wait3A_279, %dma_wait3A_280] : memref<1536x2x96xi32, #tpu.memory_space<hbm>> -> memref<1x2x96xi32, #tpu.memory_space<hbm>>
        %dma_wait3A_282 = tpu.memref_squeeze %dma_wait3A_281 : memref<1x2x96xi32, #tpu.memory_space<hbm>> -> memref<2x96xi32, #tpu.memory_space<hbm>>
        %dma_wait3A_283 = arith.constant 0 : i32
        %dma_wait3A_284 = arith.constant 0 : i32
        %dma_wait3A_285 = tpu.memref_slice %arg4[%add3A_164, %dma_wait3A_283, %dma_wait3A_284] : memref<1536x2x96xi32, #tpu.memory_space<hbm>> -> memref<1x2x96xi32, #tpu.memory_space<hbm>>
        %dma_wait3A_286 = tpu.memref_squeeze %dma_wait3A_285 : memref<1x2x96xi32, #tpu.memory_space<hbm>> -> memref<2x96xi32, #tpu.memory_space<hbm>>
        tpu.wait_dma2 semaphore(%run_scoped3A : memref<!tpu.dma_semaphore, #tpu.memory_space<semaphore_mem>>) src(%dma_wait3A_286 : memref<2x96xi32, #tpu.memory_space<hbm>>) dst(%arg9 : memref<2x96xi32, #tpu.memory_space<vmem>>)
        tpu.yield
      }) : () -> ()
      %parallel_loop3A = arith.constant 0 : i32
      %parallel_loop3A_165 = arith.constant 96 : i32
      %parallel_loop3A_166 = arith.constant 1 : i32
      scf.for %parallel_loop3A_271 = %parallel_loop3A to %parallel_loop3A_165 step %parallel_loop3A_166  : i32 {
        %parallel_loop3A_272 = vector.broadcast %parallel_loop3A_271 : i32 to vector<16xi32>
        %parallel_loop3A_273 = arith.constant 0 : i32
        %parallel_loop3A_274 = vector.broadcast %parallel_loop3A_273 : i32 to vector<16xi32>
        %parallel_loop3A_275 = tpu.vector_load_idx %arg12[%parallel_loop3A_274, %parallel_loop3A_272, %get3A_3] : memref<3x96x128xf32, #tpu.memory_space<vmem>>[vector<16xi32>, vector<16xi32>, vector<16xi32>], vector<16xf32>,
        %parallel_loop3A_276 = arith.constant 0 : i32
        %parallel_loop3A_277 = arith.index_cast %parallel_loop3A_276 : i32 to index
        %parallel_loop3A_278 = arith.index_cast %parallel_loop3A_271 : i32 to index
        %parallel_loop3A_279 = arith.constant 0 : index
        %parallel_loop3A_280 = tpu.vector_load %arg14[%parallel_loop3A_277, %parallel_loop3A_278, %parallel_loop3A_279] {strides = array<i32>} : memref<2x96x128xf32, #tpu.memory_space<vmem>>, vector<16xf32>,
        tpu.vector_store %arg14[%parallel_loop3A_277, %parallel_loop3A_278, %parallel_loop3A_279], %parallel_loop3A_275 {strides = array<i32>} : memref<2x96x128xf32, #tpu.memory_space<vmem>>, vector<16xf32>,
        %parallel_loop3A_281 = arith.constant 0 : i32
        %parallel_loop3A_282 = vector.broadcast %parallel_loop3A_281 : i32 to vector<16xi32>
        %parallel_loop3A_283 = tpu.vector_load_idx %arg12[%parallel_loop3A_282, %parallel_loop3A_272, %get3A_5] : memref<3x96x128xf32, #tpu.memory_space<vmem>>[vector<16xi32>, vector<16xi32>, vector<16xi32>], vector<16xf32>,
        %parallel_loop3A_284 = arith.constant 0 : i32
        %parallel_loop3A_285 = arith.index_cast %parallel_loop3A_284 : i32 to index
        %parallel_loop3A_286 = arith.index_cast %parallel_loop3A_271 : i32 to index
        %parallel_loop3A_287 = arith.constant 16 : index
        %parallel_loop3A_288 = tpu.vector_load %arg14[%parallel_loop3A_285, %parallel_loop3A_286, %parallel_loop3A_287] {strides = array<i32>} : memref<2x96x128xf32, #tpu.memory_space<vmem>>, vector<16xf32>,
        tpu.vector_store %arg14[%parallel_loop3A_285, %parallel_loop3A_286, %parallel_loop3A_287], %parallel_loop3A_283 {strides = array<i32>} : memref<2x96x128xf32, #tpu.memory_space<vmem>>, vector<16xf32>,
        %parallel_loop3A_289 = arith.constant 0 : i32
        %parallel_loop3A_290 = vector.broadcast %parallel_loop3A_289 : i32 to vector<16xi32>
        %parallel_loop3A_291 = tpu.vector_load_idx %arg12[%parallel_loop3A_290, %parallel_loop3A_272, %get3A_7] : memref<3x96x128xf32, #tpu.memory_space<vmem>>[vector<16xi32>, vector<16xi32>, vector<16xi32>], vector<16xf32>,
        %parallel_loop3A_292 = arith.constant 0 : i32
        %parallel_loop3A_293 = arith.index_cast %parallel_loop3A_292 : i32 to index
        %parallel_loop3A_294 = arith.index_cast %parallel_loop3A_271 : i32 to index
        %parallel_loop3A_295 = arith.constant 32 : index
        %parallel_loop3A_296 = tpu.vector_load %arg14[%parallel_loop3A_293, %parallel_loop3A_294, %parallel_loop3A_295] {strides = array<i32>} : memref<2x96x128xf32, #tpu.memory_space<vmem>>, vector<16xf32>,
        tpu.vector_store %arg14[%parallel_loop3A_293, %parallel_loop3A_294, %parallel_loop3A_295], %parallel_loop3A_291 {strides = array<i32>} : memref<2x96x128xf32, #tpu.memory_space<vmem>>, vector<16xf32>,
        %parallel_loop3A_297 = arith.constant 0 : i32
        %parallel_loop3A_298 = vector.broadcast %parallel_loop3A_297 : i32 to vector<16xi32>
        %parallel_loop3A_299 = tpu.vector_load_idx %arg12[%parallel_loop3A_298, %parallel_loop3A_272, %get3A_9] : memref<3x96x128xf32, #tpu.memory_space<vmem>>[vector<16xi32>, vector<16xi32>, vector<16xi32>], vector<16xf32>,
        %parallel_loop3A_300 = arith.constant 0 : i32
        %parallel_loop3A_301 = arith.index_cast %parallel_loop3A_300 : i32 to index
        %parallel_loop3A_302 = arith.index_cast %parallel_loop3A_271 : i32 to index
        %parallel_loop3A_303 = arith.constant 48 : index
        %parallel_loop3A_304 = tpu.vector_load %arg14[%parallel_loop3A_301, %parallel_loop3A_302, %parallel_loop3A_303] {strides = array<i32>} : memref<2x96x128xf32, #tpu.memory_space<vmem>>, vector<16xf32>,
        tpu.vector_store %arg14[%parallel_loop3A_301, %parallel_loop3A_302, %parallel_loop3A_303], %parallel_loop3A_299 {strides = array<i32>} : memref<2x96x128xf32, #tpu.memory_space<vmem>>, vector<16xf32>,
        %parallel_loop3A_305 = arith.constant 1 : i32
        %parallel_loop3A_306 = vector.broadcast %parallel_loop3A_305 : i32 to vector<16xi32>
        %parallel_loop3A_307 = tpu.vector_load_idx %arg12[%parallel_loop3A_306, %parallel_loop3A_272, %get3A_11] : memref<3x96x128xf32, #tpu.memory_space<vmem>>[vector<16xi32>, vector<16xi32>, vector<16xi32>], vector<16xf32>,
        %parallel_loop3A_308 = arith.constant 0 : i32
        %parallel_loop3A_309 = arith.index_cast %parallel_loop3A_308 : i32 to index
        %parallel_loop3A_310 = arith.index_cast %parallel_loop3A_271 : i32 to index
        %parallel_loop3A_311 = arith.constant 64 : index
        %parallel_loop3A_312 = tpu.vector_load %arg14[%parallel_loop3A_309, %parallel_loop3A_310, %parallel_loop3A_311] {strides = array<i32>} : memref<2x96x128xf32, #tpu.memory_space<vmem>>, vector<16xf32>,
        tpu.vector_store %arg14[%parallel_loop3A_309, %parallel_loop3A_310, %parallel_loop3A_311], %parallel_loop3A_307 {strides = array<i32>} : memref<2x96x128xf32, #tpu.memory_space<vmem>>, vector<16xf32>,
        %parallel_loop3A_313 = arith.constant 1 : i32
        %parallel_loop3A_314 = vector.broadcast %parallel_loop3A_313 : i32 to vector<16xi32>
        %parallel_loop3A_315 = tpu.vector_load_idx %arg12[%parallel_loop3A_314, %parallel_loop3A_272, %get3A_13] : memref<3x96x128xf32, #tpu.memory_space<vmem>>[vector<16xi32>, vector<16xi32>, vector<16xi32>], vector<16xf32>,
        %parallel_loop3A_316 = arith.constant 0 : i32
        %parallel_loop3A_317 = arith.index_cast %parallel_loop3A_316 : i32 to index
        %parallel_loop3A_318 = arith.index_cast %parallel_loop3A_271 : i32 to index
        %parallel_loop3A_319 = arith.constant 80 : index
        %parallel_loop3A_320 = tpu.vector_load %arg14[%parallel_loop3A_317, %parallel_loop3A_318, %parallel_loop3A_319] {strides = array<i32>} : memref<2x96x128xf32, #tpu.memory_space<vmem>>, vector<16xf32>,
        tpu.vector_store %arg14[%parallel_loop3A_317, %parallel_loop3A_318, %parallel_loop3A_319], %parallel_loop3A_315 {strides = array<i32>} : memref<2x96x128xf32, #tpu.memory_space<vmem>>, vector<16xf32>,
        %parallel_loop3A_321 = arith.constant 1 : i32
        %parallel_loop3A_322 = vector.broadcast %parallel_loop3A_321 : i32 to vector<16xi32>
        %parallel_loop3A_323 = tpu.vector_load_idx %arg12[%parallel_loop3A_322, %parallel_loop3A_272, %get3A_15] : memref<3x96x128xf32, #tpu.memory_space<vmem>>[vector<16xi32>, vector<16xi32>, vector<16xi32>], vector<16xf32>,
        %parallel_loop3A_324 = arith.constant 0 : i32
        %parallel_loop3A_325 = arith.index_cast %parallel_loop3A_324 : i32 to index
        %parallel_loop3A_326 = arith.index_cast %parallel_loop3A_271 : i32 to index
        %parallel_loop3A_327 = arith.constant 96 : index
        %parallel_loop3A_328 = tpu.vector_load %arg14[%parallel_loop3A_325, %parallel_loop3A_326, %parallel_loop3A_327] {strides = array<i32>} : memref<2x96x128xf32, #tpu.memory_space<vmem>>, vector<16xf32>,
        tpu.vector_store %arg14[%parallel_loop3A_325, %parallel_loop3A_326, %parallel_loop3A_327], %parallel_loop3A_323 {strides = array<i32>} : memref<2x96x128xf32, #tpu.memory_space<vmem>>, vector<16xf32>,
        %parallel_loop3A_329 = arith.constant 1 : i32
        %parallel_loop3A_330 = vector.broadcast %parallel_loop3A_329 : i32 to vector<16xi32>
        %parallel_loop3A_331 = tpu.vector_load_idx %arg12[%parallel_loop3A_330, %parallel_loop3A_272, %get3A_17] : memref<3x96x128xf32, #tpu.memory_space<vmem>>[vector<16xi32>, vector<16xi32>, vector<16xi32>], vector<16xf32>,
        %parallel_loop3A_332 = arith.constant 0 : i32
        %parallel_loop3A_333 = arith.index_cast %parallel_loop3A_332 : i32 to index
        %parallel_loop3A_334 = arith.index_cast %parallel_loop3A_271 : i32 to index
        %parallel_loop3A_335 = arith.constant 112 : index
        %parallel_loop3A_336 = tpu.vector_load %arg14[%parallel_loop3A_333, %parallel_loop3A_334, %parallel_loop3A_335] {strides = array<i32>} : memref<2x96x128xf32, #tpu.memory_space<vmem>>, vector<16xf32>,
        tpu.vector_store %arg14[%parallel_loop3A_333, %parallel_loop3A_334, %parallel_loop3A_335], %parallel_loop3A_331 {strides = array<i32>} : memref<2x96x128xf32, #tpu.memory_space<vmem>>, vector<16xf32>,
        %parallel_loop3A_337 = arith.constant 2 : i32
        %parallel_loop3A_338 = vector.broadcast %parallel_loop3A_337 : i32 to vector<16xi32>
        %parallel_loop3A_339 = tpu.vector_load_idx %arg12[%parallel_loop3A_338, %parallel_loop3A_272, %get3A_19] : memref<3x96x128xf32, #tpu.memory_space<vmem>>[vector<16xi32>, vector<16xi32>, vector<16xi32>], vector<16xf32>,
        %parallel_loop3A_340 = arith.constant 1 : i32
        %parallel_loop3A_341 = arith.index_cast %parallel_loop3A_340 : i32 to index
        %parallel_loop3A_342 = arith.index_cast %parallel_loop3A_271 : i32 to index
        %parallel_loop3A_343 = arith.constant 0 : index
        %parallel_loop3A_344 = tpu.vector_load %arg14[%parallel_loop3A_341, %parallel_loop3A_342, %parallel_loop3A_343] {strides = array<i32>} : memref<2x96x128xf32, #tpu.memory_space<vmem>>, vector<16xf32>,
        tpu.vector_store %arg14[%parallel_loop3A_341, %parallel_loop3A_342, %parallel_loop3A_343], %parallel_loop3A_339 {strides = array<i32>} : memref<2x96x128xf32, #tpu.memory_space<vmem>>, vector<16xf32>,
        %parallel_loop3A_345 = arith.constant 2 : i32
        %parallel_loop3A_346 = vector.broadcast %parallel_loop3A_345 : i32 to vector<16xi32>
        %parallel_loop3A_347 = tpu.vector_load_idx %arg12[%parallel_loop3A_346, %parallel_loop3A_272, %get3A_21] : memref<3x96x128xf32, #tpu.memory_space<vmem>>[vector<16xi32>, vector<16xi32>, vector<16xi32>], vector<16xf32>,
        %parallel_loop3A_348 = arith.constant 1 : i32
        %parallel_loop3A_349 = arith.index_cast %parallel_loop3A_348 : i32 to index
        %parallel_loop3A_350 = arith.index_cast %parallel_loop3A_271 : i32 to index
        %parallel_loop3A_351 = arith.constant 16 : index
        %parallel_loop3A_352 = tpu.vector_load %arg14[%parallel_loop3A_349, %parallel_loop3A_350, %parallel_loop3A_351] {strides = array<i32>} : memref<2x96x128xf32, #tpu.memory_space<vmem>>, vector<16xf32>,
        tpu.vector_store %arg14[%parallel_loop3A_349, %parallel_loop3A_350, %parallel_loop3A_351], %parallel_loop3A_347 {strides = array<i32>} : memref<2x96x128xf32, #tpu.memory_space<vmem>>, vector<16xf32>,
        %parallel_loop3A_353 = arith.constant 2 : i32
        %parallel_loop3A_354 = vector.broadcast %parallel_loop3A_353 : i32 to vector<16xi32>
        %parallel_loop3A_355 = tpu.vector_load_idx %arg12[%parallel_loop3A_354, %parallel_loop3A_272, %get3A_23] : memref<3x96x128xf32, #tpu.memory_space<vmem>>[vector<16xi32>, vector<16xi32>, vector<16xi32>], vector<16xf32>,
        %parallel_loop3A_356 = arith.constant 1 : i32
        %parallel_loop3A_357 = arith.index_cast %parallel_loop3A_356 : i32 to index
        %parallel_loop3A_358 = arith.index_cast %parallel_loop3A_271 : i32 to index
        %parallel_loop3A_359 = arith.constant 32 : index
        %parallel_loop3A_360 = tpu.vector_load %arg14[%parallel_loop3A_357, %parallel_loop3A_358, %parallel_loop3A_359] {strides = array<i32>} : memref<2x96x128xf32, #tpu.memory_space<vmem>>, vector<16xf32>,
        tpu.vector_store %arg14[%parallel_loop3A_357, %parallel_loop3A_358, %parallel_loop3A_359], %parallel_loop3A_355 {strides = array<i32>} : memref<2x96x128xf32, #tpu.memory_space<vmem>>, vector<16xf32>,
        %parallel_loop3A_361 = arith.constant 2 : i32
        %parallel_loop3A_362 = vector.broadcast %parallel_loop3A_361 : i32 to vector<16xi32>
        %parallel_loop3A_363 = tpu.vector_load_idx %arg12[%parallel_loop3A_362, %parallel_loop3A_272, %get3A_25] : memref<3x96x128xf32, #tpu.memory_space<vmem>>[vector<16xi32>, vector<16xi32>, vector<16xi32>], vector<16xf32>,
        %parallel_loop3A_364 = arith.constant 1 : i32
        %parallel_loop3A_365 = arith.index_cast %parallel_loop3A_364 : i32 to index
        %parallel_loop3A_366 = arith.index_cast %parallel_loop3A_271 : i32 to index
        %parallel_loop3A_367 = arith.constant 48 : index
        %parallel_loop3A_368 = tpu.vector_load %arg14[%parallel_loop3A_365, %parallel_loop3A_366, %parallel_loop3A_367] {strides = array<i32>} : memref<2x96x128xf32, #tpu.memory_space<vmem>>, vector<16xf32>,
        tpu.vector_store %arg14[%parallel_loop3A_365, %parallel_loop3A_366, %parallel_loop3A_367], %parallel_loop3A_363 {strides = array<i32>} : memref<2x96x128xf32, #tpu.memory_space<vmem>>, vector<16xf32>,
      } {sc.loop_unroll_factor = 2 : i64, sc.parallel_access}
      %dma_start3A_167 = arith.constant 0 : i32
      %dma_start3A_168 = arith.constant 0 : i32
      %dma_start3A_169 = arith.constant 0 : i32
      %dma_start3A_170 = arith.constant 0 : i32
      %dma_start3A_171 = tpu.memref_slice %arg14[%dma_start3A_167, %dma_start3A_169, %dma_start3A_170] : memref<2x96x128xf32, #tpu.memory_space<vmem>> -> memref<1x96x128xf32, #tpu.memory_space<vmem>>
      %dma_start3A_172 = tpu.memref_squeeze %dma_start3A_171 : memref<1x96x128xf32, #tpu.memory_space<vmem>> -> memref<96x128xf32, #tpu.memory_space<vmem>>
      %dma_start3A_173 = arith.constant 0 : i32
      %dma_start3A_174 = tpu.memref_slice %arg9[%dma_start3A_168, %dma_start3A_173] : memref<2x96xi32, #tpu.memory_space<vmem>> -> memref<1x96xi32, #tpu.memory_space<vmem>>
      %dma_start3A_175 = tpu.memref_squeeze %dma_start3A_174 : memref<1x96xi32, #tpu.memory_space<vmem>> -> memref<96xi32, #tpu.memory_space<vmem>>
      %dma_start3A_176 = arith.constant 0 : i32
      %dma_start3A_177 = arith.constant 0 : i32
      %dma_start3A_178 = tpu.memref_slice %arg6[%dma_start3A_176, %dma_start3A_177] : memref<294912x128xf32, #tpu.memory_space<hbm>> -> memref<294912x128xf32, #tpu.memory_space<hbm>>
      tpu.enqueue_indirect_dma source(%dma_start3A_172 : memref<96x128xf32, #tpu.memory_space<vmem>>) target(%dma_start3A_178 : memref<294912x128xf32, #tpu.memory_space<hbm>>) offsets(%dma_start3A_175 : memref<96xi32, #tpu.memory_space<vmem>>) semaphore(%arg18 : memref<!tpu.dma_semaphore, #tpu.memory_space<semaphore_mem>>)
      %dma_start3A_179 = arith.constant 1 : i32
      %dma_start3A_180 = arith.constant 1 : i32
      %dma_start3A_181 = arith.constant 0 : i32
      %dma_start3A_182 = arith.constant 0 : i32
      %dma_start3A_183 = tpu.memref_slice %arg14[%dma_start3A_179, %dma_start3A_181, %dma_start3A_182] : memref<2x96x128xf32, #tpu.memory_space<vmem>> -> memref<1x96x128xf32, #tpu.memory_space<vmem>>
      %dma_start3A_184 = tpu.memref_squeeze %dma_start3A_183 : memref<1x96x128xf32, #tpu.memory_space<vmem>> -> memref<96x128xf32, #tpu.memory_space<vmem>>
      %dma_start3A_185 = arith.constant 0 : i32
      %dma_start3A_186 = tpu.memref_slice %arg9[%dma_start3A_180, %dma_start3A_185] : memref<2x96xi32, #tpu.memory_space<vmem>> -> memref<1x96xi32, #tpu.memory_space<vmem>>
      %dma_start3A_187 = tpu.memref_squeeze %dma_start3A_186 : memref<1x96xi32, #tpu.memory_space<vmem>> -> memref<96xi32, #tpu.memory_space<vmem>>
      %dma_start3A_188 = arith.constant 0 : i32
      %dma_start3A_189 = arith.constant 0 : i32
      %dma_start3A_190 = tpu.memref_slice %arg6[%dma_start3A_188, %dma_start3A_189] : memref<294912x128xf32, #tpu.memory_space<hbm>> -> memref<294912x128xf32, #tpu.memory_space<hbm>>
      tpu.enqueue_indirect_dma source(%dma_start3A_184 : memref<96x128xf32, #tpu.memory_space<vmem>>) target(%dma_start3A_190 : memref<294912x128xf32, #tpu.memory_space<hbm>>) offsets(%dma_start3A_187 : memref<96xi32, #tpu.memory_space<vmem>>) semaphore(%arg18 : memref<!tpu.dma_semaphore, #tpu.memory_space<semaphore_mem>>)
      %mul3A_191 = arith.constant 2 : i32
      %mul3A_192 = arith.muli %scan3A_115, %mul3A_191 : i32
      %add3A_193 = arith.constant 1 : i32
      %add3A_194 = arith.addi %mul3A_192, %add3A_193 : i32
      %dma_wait3A_195 = arith.constant 0 : i32
      %dma_wait3A_196 = arith.constant 0 : i32
      %dma_wait3A_197 = arith.constant 0 : i32
      %dma_wait3A_198 = arith.constant 0 : i32
      %dma_wait3A_199 = tpu.memref_slice %arg13[%dma_wait3A_196, %dma_wait3A_197, %dma_wait3A_198] : memref<3x96x128xf32, #tpu.memory_space<vmem>> -> memref<1x96x128xf32, #tpu.memory_space<vmem>>
      %dma_wait3A_200 = tpu.memref_squeeze %dma_wait3A_199 : memref<1x96x128xf32, #tpu.memory_space<vmem>> -> memref<96x128xf32, #tpu.memory_space<vmem>>
      %dma_wait3A_201 = arith.constant 0 : i32
      %dma_wait3A_202 = tpu.memref_slice %arg8[%dma_wait3A_195, %dma_wait3A_201] : memref<3x96xi32, #tpu.memory_space<vmem>> -> memref<1x96xi32, #tpu.memory_space<vmem>>
      %dma_wait3A_203 = tpu.memref_squeeze %dma_wait3A_202 : memref<1x96xi32, #tpu.memory_space<vmem>> -> memref<96xi32, #tpu.memory_space<vmem>>
      %dma_wait3A_204 = arith.constant 0 : i32
      %dma_wait3A_205 = arith.constant 0 : i32
      %dma_wait3A_206 = tpu.memref_slice %arg2[%dma_wait3A_204, %dma_wait3A_205] : memref<884736x128xf32, #tpu.memory_space<hbm>> -> memref<884736x128xf32, #tpu.memory_space<hbm>>
      tpu.wait_indirect_dma semaphore(%arg17 : memref<!tpu.dma_semaphore, #tpu.memory_space<semaphore_mem>>) src(%dma_wait3A_206 : memref<884736x128xf32, #tpu.memory_space<hbm>>) dst(%dma_wait3A_200 : memref<96x128xf32, #tpu.memory_space<vmem>>)
      %dma_wait3A_207 = arith.constant 1 : i32
      %dma_wait3A_208 = arith.constant 1 : i32
      %dma_wait3A_209 = arith.constant 0 : i32
      %dma_wait3A_210 = arith.constant 0 : i32
      %dma_wait3A_211 = tpu.memref_slice %arg13[%dma_wait3A_208, %dma_wait3A_209, %dma_wait3A_210] : memref<3x96x128xf32, #tpu.memory_space<vmem>> -> memref<1x96x128xf32, #tpu.memory_space<vmem>>
      %dma_wait3A_212 = tpu.memref_squeeze %dma_wait3A_211 : memref<1x96x128xf32, #tpu.memory_space<vmem>> -> memref<96x128xf32, #tpu.memory_space<vmem>>
      %dma_wait3A_213 = arith.constant 0 : i32
      %dma_wait3A_214 = tpu.memref_slice %arg8[%dma_wait3A_207, %dma_wait3A_213] : memref<3x96xi32, #tpu.memory_space<vmem>> -> memref<1x96xi32, #tpu.memory_space<vmem>>
      %dma_wait3A_215 = tpu.memref_squeeze %dma_wait3A_214 : memref<1x96xi32, #tpu.memory_space<vmem>> -> memref<96xi32, #tpu.memory_space<vmem>>
      %dma_wait3A_216 = arith.constant 0 : i32
      %dma_wait3A_217 = arith.constant 0 : i32
      %dma_wait3A_218 = tpu.memref_slice %arg2[%dma_wait3A_216, %dma_wait3A_217] : memref<884736x128xf32, #tpu.memory_space<hbm>> -> memref<884736x128xf32, #tpu.memory_space<hbm>>
      tpu.wait_indirect_dma semaphore(%arg17 : memref<!tpu.dma_semaphore, #tpu.memory_space<semaphore_mem>>) src(%dma_wait3A_218 : memref<884736x128xf32, #tpu.memory_space<hbm>>) dst(%dma_wait3A_212 : memref<96x128xf32, #tpu.memory_space<vmem>>)
      %dma_wait3A_219 = arith.constant 2 : i32
      %dma_wait3A_220 = arith.constant 2 : i32
      %dma_wait3A_221 = arith.constant 0 : i32
      %dma_wait3A_222 = arith.constant 0 : i32
      %dma_wait3A_223 = tpu.memref_slice %arg13[%dma_wait3A_220, %dma_wait3A_221, %dma_wait3A_222] : memref<3x96x128xf32, #tpu.memory_space<vmem>> -> memref<1x96x128xf32, #tpu.memory_space<vmem>>
      %dma_wait3A_224 = tpu.memref_squeeze %dma_wait3A_223 : memref<1x96x128xf32, #tpu.memory_space<vmem>> -> memref<96x128xf32, #tpu.memory_space<vmem>>
      %dma_wait3A_225 = arith.constant 0 : i32
      %dma_wait3A_226 = tpu.memref_slice %arg8[%dma_wait3A_219, %dma_wait3A_225] : memref<3x96xi32, #tpu.memory_space<vmem>> -> memref<1x96xi32, #tpu.memory_space<vmem>>
      %dma_wait3A_227 = tpu.memref_squeeze %dma_wait3A_226 : memref<1x96xi32, #tpu.memory_space<vmem>> -> memref<96xi32, #tpu.memory_space<vmem>>
      %dma_wait3A_228 = arith.constant 0 : i32
      %dma_wait3A_229 = arith.constant 0 : i32
      %dma_wait3A_230 = tpu.memref_slice %arg2[%dma_wait3A_228, %dma_wait3A_229] : memref<884736x128xf32, #tpu.memory_space<hbm>> -> memref<884736x128xf32, #tpu.memory_space<hbm>>
      tpu.wait_indirect_dma semaphore(%arg17 : memref<!tpu.dma_semaphore, #tpu.memory_space<semaphore_mem>>) src(%dma_wait3A_230 : memref<884736x128xf32, #tpu.memory_space<hbm>>) dst(%dma_wait3A_224 : memref<96x128xf32, #tpu.memory_space<vmem>>)
      %add3A_231 = arith.constant 1 : i32
      %add3A_232 = arith.addi %add3A_194, %add3A_231 : i32
      %lt3A_233 = arith.constant 48 : i32
      %lt3A_234 = arith.cmpi slt, %add3A_232, %lt3A_233 : i32
      %convert_element_type3A_235 = arith.extui %lt3A_234 : i1 to i32
      %cond3A_236 = arith.constant 0 : i32
      %cond3A_237 = arith.cmpi ne, %convert_element_type3A_235, %cond3A_236 : i32
      scf.if %cond3A_237 {
        %add3A_271 = arith.constant 1 : i32
        %add3A_272 = arith.addi %add3A_194, %add3A_271 : i32
        %add3A_273 = arith.addi %mul3A_2, %add3A_272 : i32
        "tpu.region"() ({
          %run_scoped3A = tpu.sem_alloc : memref<!tpu.dma_semaphore, #tpu.memory_space<semaphore_mem>>
          %dma_start3A_310 = arith.constant 0 : i32
          %dma_start3A_311 = arith.constant 0 : i32
          %dma_start3A_312 = tpu.memref_slice %arg3[%add3A_273, %dma_start3A_310, %dma_start3A_311] : memref<1536x3x96xi32, #tpu.memory_space<hbm>> -> memref<1x3x96xi32, #tpu.memory_space<hbm>>
          %dma_start3A_313 = tpu.memref_squeeze %dma_start3A_312 : memref<1x3x96xi32, #tpu.memory_space<hbm>> -> memref<3x96xi32, #tpu.memory_space<hbm>>
          %dma_start3A_314 = arith.constant 0 : i32
          %dma_start3A_315 = arith.constant 0 : i32
          %dma_start3A_316 = tpu.memref_slice %arg3[%add3A_273, %dma_start3A_314, %dma_start3A_315] : memref<1536x3x96xi32, #tpu.memory_space<hbm>> -> memref<1x3x96xi32, #tpu.memory_space<hbm>>
          %dma_start3A_317 = tpu.memref_squeeze %dma_start3A_316 : memref<1x3x96xi32, #tpu.memory_space<hbm>> -> memref<3x96xi32, #tpu.memory_space<hbm>>
          tpu.enqueue_dma source(%dma_start3A_317 : memref<3x96xi32, #tpu.memory_space<hbm>>) target(%arg7 : memref<3x96xi32, #tpu.memory_space<vmem>>) target_semaphore(%run_scoped3A : memref<!tpu.dma_semaphore, #tpu.memory_space<semaphore_mem>>)
          %dma_wait3A_318 = arith.constant 0 : i32
          %dma_wait3A_319 = arith.constant 0 : i32
          %dma_wait3A_320 = tpu.memref_slice %arg3[%add3A_273, %dma_wait3A_318, %dma_wait3A_319] : memref<1536x3x96xi32, #tpu.memory_space<hbm>> -> memref<1x3x96xi32, #tpu.memory_space<hbm>>
          %dma_wait3A_321 = tpu.memref_squeeze %dma_wait3A_320 : memref<1x3x96xi32, #tpu.memory_space<hbm>> -> memref<3x96xi32, #tpu.memory_space<hbm>>
          %dma_wait3A_322 = arith.constant 0 : i32
          %dma_wait3A_323 = arith.constant 0 : i32
          %dma_wait3A_324 = tpu.memref_slice %arg3[%add3A_273, %dma_wait3A_322, %dma_wait3A_323] : memref<1536x3x96xi32, #tpu.memory_space<hbm>> -> memref<1x3x96xi32, #tpu.memory_space<hbm>>
          %dma_wait3A_325 = tpu.memref_squeeze %dma_wait3A_324 : memref<1x3x96xi32, #tpu.memory_space<hbm>> -> memref<3x96xi32, #tpu.memory_space<hbm>>
          tpu.wait_dma2 semaphore(%run_scoped3A : memref<!tpu.dma_semaphore, #tpu.memory_space<semaphore_mem>>) src(%dma_wait3A_325 : memref<3x96xi32, #tpu.memory_space<hbm>>) dst(%arg7 : memref<3x96xi32, #tpu.memory_space<vmem>>)
          tpu.yield
        }) : () -> ()
        %dma_start3A_274 = arith.constant 0 : i32
        %dma_start3A_275 = arith.constant 0 : i32
        %dma_start3A_276 = arith.constant 0 : i32
        %dma_start3A_277 = arith.constant 0 : i32
        %dma_start3A_278 = tpu.memref_slice %arg12[%dma_start3A_275, %dma_start3A_276, %dma_start3A_277] : memref<3x96x128xf32, #tpu.memory_space<vmem>> -> memref<1x96x128xf32, #tpu.memory_space<vmem>>
        %dma_start3A_279 = tpu.memref_squeeze %dma_start3A_278 : memref<1x96x128xf32, #tpu.memory_space<vmem>> -> memref<96x128xf32, #tpu.memory_space<vmem>>
        %dma_start3A_280 = arith.constant 0 : i32
        %dma_start3A_281 = tpu.memref_slice %arg7[%dma_start3A_274, %dma_start3A_280] : memref<3x96xi32, #tpu.memory_space<vmem>> -> memref<1x96xi32, #tpu.memory_space<vmem>>
        %dma_start3A_282 = tpu.memref_squeeze %dma_start3A_281 : memref<1x96xi32, #tpu.memory_space<vmem>> -> memref<96xi32, #tpu.memory_space<vmem>>
        %dma_start3A_283 = arith.constant 0 : i32
        %dma_start3A_284 = arith.constant 0 : i32
        %dma_start3A_285 = tpu.memref_slice %arg2[%dma_start3A_283, %dma_start3A_284] : memref<884736x128xf32, #tpu.memory_space<hbm>> -> memref<884736x128xf32, #tpu.memory_space<hbm>>
        tpu.enqueue_indirect_dma source(%dma_start3A_285 : memref<884736x128xf32, #tpu.memory_space<hbm>>) target(%dma_start3A_279 : memref<96x128xf32, #tpu.memory_space<vmem>>) offsets(%dma_start3A_282 : memref<96xi32, #tpu.memory_space<vmem>>) semaphore(%arg16 : memref<!tpu.dma_semaphore, #tpu.memory_space<semaphore_mem>>)
        %dma_start3A_286 = arith.constant 1 : i32
        %dma_start3A_287 = arith.constant 1 : i32
        %dma_start3A_288 = arith.constant 0 : i32
        %dma_start3A_289 = arith.constant 0 : i32
        %dma_start3A_290 = tpu.memref_slice %arg12[%dma_start3A_287, %dma_start3A_288, %dma_start3A_289] : memref<3x96x128xf32, #tpu.memory_space<vmem>> -> memref<1x96x128xf32, #tpu.memory_space<vmem>>
        %dma_start3A_291 = tpu.memref_squeeze %dma_start3A_290 : memref<1x96x128xf32, #tpu.memory_space<vmem>> -> memref<96x128xf32, #tpu.memory_space<vmem>>
        %dma_start3A_292 = arith.constant 0 : i32
        %dma_start3A_293 = tpu.memref_slice %arg7[%dma_start3A_286, %dma_start3A_292] : memref<3x96xi32, #tpu.memory_space<vmem>> -> memref<1x96xi32, #tpu.memory_space<vmem>>
        %dma_start3A_294 = tpu.memref_squeeze %dma_start3A_293 : memref<1x96xi32, #tpu.memory_space<vmem>> -> memref<96xi32, #tpu.memory_space<vmem>>
        %dma_start3A_295 = arith.constant 0 : i32
        %dma_start3A_296 = arith.constant 0 : i32
        %dma_start3A_297 = tpu.memref_slice %arg2[%dma_start3A_295, %dma_start3A_296] : memref<884736x128xf32, #tpu.memory_space<hbm>> -> memref<884736x128xf32, #tpu.memory_space<hbm>>
        tpu.enqueue_indirect_dma source(%dma_start3A_297 : memref<884736x128xf32, #tpu.memory_space<hbm>>) target(%dma_start3A_291 : memref<96x128xf32, #tpu.memory_space<vmem>>) offsets(%dma_start3A_294 : memref<96xi32, #tpu.memory_space<vmem>>) semaphore(%arg16 : memref<!tpu.dma_semaphore, #tpu.memory_space<semaphore_mem>>)
        %dma_start3A_298 = arith.constant 2 : i32
        %dma_start3A_299 = arith.constant 2 : i32
        %dma_start3A_300 = arith.constant 0 : i32
        %dma_start3A_301 = arith.constant 0 : i32
        %dma_start3A_302 = tpu.memref_slice %arg12[%dma_start3A_299, %dma_start3A_300, %dma_start3A_301] : memref<3x96x128xf32, #tpu.memory_space<vmem>> -> memref<1x96x128xf32, #tpu.memory_space<vmem>>
        %dma_start3A_303 = tpu.memref_squeeze %dma_start3A_302 : memref<1x96x128xf32, #tpu.memory_space<vmem>> -> memref<96x128xf32, #tpu.memory_space<vmem>>
        %dma_start3A_304 = arith.constant 0 : i32
        %dma_start3A_305 = tpu.memref_slice %arg7[%dma_start3A_298, %dma_start3A_304] : memref<3x96xi32, #tpu.memory_space<vmem>> -> memref<1x96xi32, #tpu.memory_space<vmem>>
        %dma_start3A_306 = tpu.memref_squeeze %dma_start3A_305 : memref<1x96xi32, #tpu.memory_space<vmem>> -> memref<96xi32, #tpu.memory_space<vmem>>
        %dma_start3A_307 = arith.constant 0 : i32
        %dma_start3A_308 = arith.constant 0 : i32
        %dma_start3A_309 = tpu.memref_slice %arg2[%dma_start3A_307, %dma_start3A_308] : memref<884736x128xf32, #tpu.memory_space<hbm>> -> memref<884736x128xf32, #tpu.memory_space<hbm>>
        tpu.enqueue_indirect_dma source(%dma_start3A_309 : memref<884736x128xf32, #tpu.memory_space<hbm>>) target(%dma_start3A_303 : memref<96x128xf32, #tpu.memory_space<vmem>>) offsets(%dma_start3A_306 : memref<96xi32, #tpu.memory_space<vmem>>) semaphore(%arg16 : memref<!tpu.dma_semaphore, #tpu.memory_space<semaphore_mem>>)
      } else {
      }
      %ge3A_238 = arith.constant 2 : i32
      %ge3A_239 = arith.cmpi sge, %add3A_194, %ge3A_238 : i32
      %convert_element_type3A_240 = arith.extui %ge3A_239 : i1 to i32
      %cond3A_241 = arith.constant 0 : i32
      %cond3A_242 = arith.cmpi ne, %convert_element_type3A_240, %cond3A_241 : i32
      scf.if %cond3A_242 {
        %dma_wait3A_271 = arith.constant 0 : i32
        %dma_wait3A_272 = arith.constant 0 : i32
        %dma_wait3A_273 = arith.constant 0 : i32
        %dma_wait3A_274 = arith.constant 0 : i32
        %dma_wait3A_275 = tpu.memref_slice %arg15[%dma_wait3A_271, %dma_wait3A_273, %dma_wait3A_274] : memref<2x96x128xf32, #tpu.memory_space<vmem>> -> memref<1x96x128xf32, #tpu.memory_space<vmem>>
        %dma_wait3A_276 = tpu.memref_squeeze %dma_wait3A_275 : memref<1x96x128xf32, #tpu.memory_space<vmem>> -> memref<96x128xf32, #tpu.memory_space<vmem>>
        %dma_wait3A_277 = arith.constant 0 : i32
        %dma_wait3A_278 = tpu.memref_slice %arg10[%dma_wait3A_272, %dma_wait3A_277] : memref<2x96xi32, #tpu.memory_space<vmem>> -> memref<1x96xi32, #tpu.memory_space<vmem>>
        %dma_wait3A_279 = tpu.memref_squeeze %dma_wait3A_278 : memref<1x96xi32, #tpu.memory_space<vmem>> -> memref<96xi32, #tpu.memory_space<vmem>>
        %dma_wait3A_280 = arith.constant 0 : i32
        %dma_wait3A_281 = arith.constant 0 : i32
        %dma_wait3A_282 = tpu.memref_slice %arg6[%dma_wait3A_280, %dma_wait3A_281] : memref<294912x128xf32, #tpu.memory_space<hbm>> -> memref<294912x128xf32, #tpu.memory_space<hbm>>
        tpu.wait_indirect_dma semaphore(%arg19 : memref<!tpu.dma_semaphore, #tpu.memory_space<semaphore_mem>>) src(%dma_wait3A_276 : memref<96x128xf32, #tpu.memory_space<vmem>>) dst(%dma_wait3A_282 : memref<294912x128xf32, #tpu.memory_space<hbm>>)
        %dma_wait3A_283 = arith.constant 1 : i32
        %dma_wait3A_284 = arith.constant 1 : i32
        %dma_wait3A_285 = arith.constant 0 : i32
        %dma_wait3A_286 = arith.constant 0 : i32
        %dma_wait3A_287 = tpu.memref_slice %arg15[%dma_wait3A_283, %dma_wait3A_285, %dma_wait3A_286] : memref<2x96x128xf32, #tpu.memory_space<vmem>> -> memref<1x96x128xf32, #tpu.memory_space<vmem>>
        %dma_wait3A_288 = tpu.memref_squeeze %dma_wait3A_287 : memref<1x96x128xf32, #tpu.memory_space<vmem>> -> memref<96x128xf32, #tpu.memory_space<vmem>>
        %dma_wait3A_289 = arith.constant 0 : i32
        %dma_wait3A_290 = tpu.memref_slice %arg10[%dma_wait3A_284, %dma_wait3A_289] : memref<2x96xi32, #tpu.memory_space<vmem>> -> memref<1x96xi32, #tpu.memory_space<vmem>>
        %dma_wait3A_291 = tpu.memref_squeeze %dma_wait3A_290 : memref<1x96xi32, #tpu.memory_space<vmem>> -> memref<96xi32, #tpu.memory_space<vmem>>
        %dma_wait3A_292 = arith.constant 0 : i32
        %dma_wait3A_293 = arith.constant 0 : i32
        %dma_wait3A_294 = tpu.memref_slice %arg6[%dma_wait3A_292, %dma_wait3A_293] : memref<294912x128xf32, #tpu.memory_space<hbm>> -> memref<294912x128xf32, #tpu.memory_space<hbm>>
        tpu.wait_indirect_dma semaphore(%arg19 : memref<!tpu.dma_semaphore, #tpu.memory_space<semaphore_mem>>) src(%dma_wait3A_288 : memref<96x128xf32, #tpu.memory_space<vmem>>) dst(%dma_wait3A_294 : memref<294912x128xf32, #tpu.memory_space<hbm>>)
      } else {
      }
      %add3A_243 = arith.addi %mul3A_2, %add3A_194 : i32
      "tpu.region"() ({
        %run_scoped3A = tpu.sem_alloc : memref<!tpu.dma_semaphore, #tpu.memory_space<semaphore_mem>>
        %dma_start3A_271 = arith.constant 0 : i32
        %dma_start3A_272 = arith.constant 0 : i32
        %dma_start3A_273 = tpu.memref_slice %arg4[%add3A_243, %dma_start3A_271, %dma_start3A_272] : memref<1536x2x96xi32, #tpu.memory_space<hbm>> -> memref<1x2x96xi32, #tpu.memory_space<hbm>>
        %dma_start3A_274 = tpu.memref_squeeze %dma_start3A_273 : memref<1x2x96xi32, #tpu.memory_space<hbm>> -> memref<2x96xi32, #tpu.memory_space<hbm>>
        %dma_start3A_275 = arith.constant 0 : i32
        %dma_start3A_276 = arith.constant 0 : i32
        %dma_start3A_277 = tpu.memref_slice %arg4[%add3A_243, %dma_start3A_275, %dma_start3A_276] : memref<1536x2x96xi32, #tpu.memory_space<hbm>> -> memref<1x2x96xi32, #tpu.memory_space<hbm>>
        %dma_start3A_278 = tpu.memref_squeeze %dma_start3A_277 : memref<1x2x96xi32, #tpu.memory_space<hbm>> -> memref<2x96xi32, #tpu.memory_space<hbm>>
        tpu.enqueue_dma source(%dma_start3A_278 : memref<2x96xi32, #tpu.memory_space<hbm>>) target(%arg10 : memref<2x96xi32, #tpu.memory_space<vmem>>) target_semaphore(%run_scoped3A : memref<!tpu.dma_semaphore, #tpu.memory_space<semaphore_mem>>)
        %dma_wait3A_279 = arith.constant 0 : i32
        %dma_wait3A_280 = arith.constant 0 : i32
        %dma_wait3A_281 = tpu.memref_slice %arg4[%add3A_243, %dma_wait3A_279, %dma_wait3A_280] : memref<1536x2x96xi32, #tpu.memory_space<hbm>> -> memref<1x2x96xi32, #tpu.memory_space<hbm>>
        %dma_wait3A_282 = tpu.memref_squeeze %dma_wait3A_281 : memref<1x2x96xi32, #tpu.memory_space<hbm>> -> memref<2x96xi32, #tpu.memory_space<hbm>>
        %dma_wait3A_283 = arith.constant 0 : i32
        %dma_wait3A_284 = arith.constant 0 : i32
        %dma_wait3A_285 = tpu.memref_slice %arg4[%add3A_243, %dma_wait3A_283, %dma_wait3A_284] : memref<1536x2x96xi32, #tpu.memory_space<hbm>> -> memref<1x2x96xi32, #tpu.memory_space<hbm>>
        %dma_wait3A_286 = tpu.memref_squeeze %dma_wait3A_285 : memref<1x2x96xi32, #tpu.memory_space<hbm>> -> memref<2x96xi32, #tpu.memory_space<hbm>>
        tpu.wait_dma2 semaphore(%run_scoped3A : memref<!tpu.dma_semaphore, #tpu.memory_space<semaphore_mem>>) src(%dma_wait3A_286 : memref<2x96xi32, #tpu.memory_space<hbm>>) dst(%arg10 : memref<2x96xi32, #tpu.memory_space<vmem>>)
        tpu.yield
      }) : () -> ()
      %parallel_loop3A_244 = arith.constant 0 : i32
      %parallel_loop3A_245 = arith.constant 96 : i32
      %parallel_loop3A_246 = arith.constant 1 : i32
      scf.for %parallel_loop3A_271 = %parallel_loop3A_244 to %parallel_loop3A_245 step %parallel_loop3A_246  : i32 {
        %parallel_loop3A_272 = vector.broadcast %parallel_loop3A_271 : i32 to vector<16xi32>
        %parallel_loop3A_273 = arith.constant 0 : i32
        %parallel_loop3A_274 = vector.broadcast %parallel_loop3A_273 : i32 to vector<16xi32>
        %parallel_loop3A_275 = tpu.vector_load_idx %arg13[%parallel_loop3A_274, %parallel_loop3A_272, %get3A_3] : memref<3x96x128xf32, #tpu.memory_space<vmem>>[vector<16xi32>, vector<16xi32>, vector<16xi32>], vector<16xf32>,
        %parallel_loop3A_276 = arith.constant 0 : i32
        %parallel_loop3A_277 = arith.index_cast %parallel_loop3A_276 : i32 to index
        %parallel_loop3A_278 = arith.index_cast %parallel_loop3A_271 : i32 to index
        %parallel_loop3A_279 = arith.constant 0 : index
        %parallel_loop3A_280 = tpu.vector_load %arg15[%parallel_loop3A_277, %parallel_loop3A_278, %parallel_loop3A_279] {strides = array<i32>} : memref<2x96x128xf32, #tpu.memory_space<vmem>>, vector<16xf32>,
        tpu.vector_store %arg15[%parallel_loop3A_277, %parallel_loop3A_278, %parallel_loop3A_279], %parallel_loop3A_275 {strides = array<i32>} : memref<2x96x128xf32, #tpu.memory_space<vmem>>, vector<16xf32>,
        %parallel_loop3A_281 = arith.constant 0 : i32
        %parallel_loop3A_282 = vector.broadcast %parallel_loop3A_281 : i32 to vector<16xi32>
        %parallel_loop3A_283 = tpu.vector_load_idx %arg13[%parallel_loop3A_282, %parallel_loop3A_272, %get3A_5] : memref<3x96x128xf32, #tpu.memory_space<vmem>>[vector<16xi32>, vector<16xi32>, vector<16xi32>], vector<16xf32>,
        %parallel_loop3A_284 = arith.constant 0 : i32
        %parallel_loop3A_285 = arith.index_cast %parallel_loop3A_284 : i32 to index
        %parallel_loop3A_286 = arith.index_cast %parallel_loop3A_271 : i32 to index
        %parallel_loop3A_287 = arith.constant 16 : index
        %parallel_loop3A_288 = tpu.vector_load %arg15[%parallel_loop3A_285, %parallel_loop3A_286, %parallel_loop3A_287] {strides = array<i32>} : memref<2x96x128xf32, #tpu.memory_space<vmem>>, vector<16xf32>,
        tpu.vector_store %arg15[%parallel_loop3A_285, %parallel_loop3A_286, %parallel_loop3A_287], %parallel_loop3A_283 {strides = array<i32>} : memref<2x96x128xf32, #tpu.memory_space<vmem>>, vector<16xf32>,
        %parallel_loop3A_289 = arith.constant 0 : i32
        %parallel_loop3A_290 = vector.broadcast %parallel_loop3A_289 : i32 to vector<16xi32>
        %parallel_loop3A_291 = tpu.vector_load_idx %arg13[%parallel_loop3A_290, %parallel_loop3A_272, %get3A_7] : memref<3x96x128xf32, #tpu.memory_space<vmem>>[vector<16xi32>, vector<16xi32>, vector<16xi32>], vector<16xf32>,
        %parallel_loop3A_292 = arith.constant 0 : i32
        %parallel_loop3A_293 = arith.index_cast %parallel_loop3A_292 : i32 to index
        %parallel_loop3A_294 = arith.index_cast %parallel_loop3A_271 : i32 to index
        %parallel_loop3A_295 = arith.constant 32 : index
        %parallel_loop3A_296 = tpu.vector_load %arg15[%parallel_loop3A_293, %parallel_loop3A_294, %parallel_loop3A_295] {strides = array<i32>} : memref<2x96x128xf32, #tpu.memory_space<vmem>>, vector<16xf32>,
        tpu.vector_store %arg15[%parallel_loop3A_293, %parallel_loop3A_294, %parallel_loop3A_295], %parallel_loop3A_291 {strides = array<i32>} : memref<2x96x128xf32, #tpu.memory_space<vmem>>, vector<16xf32>,
        %parallel_loop3A_297 = arith.constant 0 : i32
        %parallel_loop3A_298 = vector.broadcast %parallel_loop3A_297 : i32 to vector<16xi32>
        %parallel_loop3A_299 = tpu.vector_load_idx %arg13[%parallel_loop3A_298, %parallel_loop3A_272, %get3A_9] : memref<3x96x128xf32, #tpu.memory_space<vmem>>[vector<16xi32>, vector<16xi32>, vector<16xi32>], vector<16xf32>,
        %parallel_loop3A_300 = arith.constant 0 : i32
        %parallel_loop3A_301 = arith.index_cast %parallel_loop3A_300 : i32 to index
        %parallel_loop3A_302 = arith.index_cast %parallel_loop3A_271 : i32 to index
        %parallel_loop3A_303 = arith.constant 48 : index
        %parallel_loop3A_304 = tpu.vector_load %arg15[%parallel_loop3A_301, %parallel_loop3A_302, %parallel_loop3A_303] {strides = array<i32>} : memref<2x96x128xf32, #tpu.memory_space<vmem>>, vector<16xf32>,
        tpu.vector_store %arg15[%parallel_loop3A_301, %parallel_loop3A_302, %parallel_loop3A_303], %parallel_loop3A_299 {strides = array<i32>} : memref<2x96x128xf32, #tpu.memory_space<vmem>>, vector<16xf32>,
        %parallel_loop3A_305 = arith.constant 1 : i32
        %parallel_loop3A_306 = vector.broadcast %parallel_loop3A_305 : i32 to vector<16xi32>
        %parallel_loop3A_307 = tpu.vector_load_idx %arg13[%parallel_loop3A_306, %parallel_loop3A_272, %get3A_11] : memref<3x96x128xf32, #tpu.memory_space<vmem>>[vector<16xi32>, vector<16xi32>, vector<16xi32>], vector<16xf32>,
        %parallel_loop3A_308 = arith.constant 0 : i32
        %parallel_loop3A_309 = arith.index_cast %parallel_loop3A_308 : i32 to index
        %parallel_loop3A_310 = arith.index_cast %parallel_loop3A_271 : i32 to index
        %parallel_loop3A_311 = arith.constant 64 : index
        %parallel_loop3A_312 = tpu.vector_load %arg15[%parallel_loop3A_309, %parallel_loop3A_310, %parallel_loop3A_311] {strides = array<i32>} : memref<2x96x128xf32, #tpu.memory_space<vmem>>, vector<16xf32>,
        tpu.vector_store %arg15[%parallel_loop3A_309, %parallel_loop3A_310, %parallel_loop3A_311], %parallel_loop3A_307 {strides = array<i32>} : memref<2x96x128xf32, #tpu.memory_space<vmem>>, vector<16xf32>,
        %parallel_loop3A_313 = arith.constant 1 : i32
        %parallel_loop3A_314 = vector.broadcast %parallel_loop3A_313 : i32 to vector<16xi32>
        %parallel_loop3A_315 = tpu.vector_load_idx %arg13[%parallel_loop3A_314, %parallel_loop3A_272, %get3A_13] : memref<3x96x128xf32, #tpu.memory_space<vmem>>[vector<16xi32>, vector<16xi32>, vector<16xi32>], vector<16xf32>,
        %parallel_loop3A_316 = arith.constant 0 : i32
        %parallel_loop3A_317 = arith.index_cast %parallel_loop3A_316 : i32 to index
        %parallel_loop3A_318 = arith.index_cast %parallel_loop3A_271 : i32 to index
        %parallel_loop3A_319 = arith.constant 80 : index
        %parallel_loop3A_320 = tpu.vector_load %arg15[%parallel_loop3A_317, %parallel_loop3A_318, %parallel_loop3A_319] {strides = array<i32>} : memref<2x96x128xf32, #tpu.memory_space<vmem>>, vector<16xf32>,
        tpu.vector_store %arg15[%parallel_loop3A_317, %parallel_loop3A_318, %parallel_loop3A_319], %parallel_loop3A_315 {strides = array<i32>} : memref<2x96x128xf32, #tpu.memory_space<vmem>>, vector<16xf32>,
        %parallel_loop3A_321 = arith.constant 1 : i32
        %parallel_loop3A_322 = vector.broadcast %parallel_loop3A_321 : i32 to vector<16xi32>
        %parallel_loop3A_323 = tpu.vector_load_idx %arg13[%parallel_loop3A_322, %parallel_loop3A_272, %get3A_15] : memref<3x96x128xf32, #tpu.memory_space<vmem>>[vector<16xi32>, vector<16xi32>, vector<16xi32>], vector<16xf32>,
        %parallel_loop3A_324 = arith.constant 0 : i32
        %parallel_loop3A_325 = arith.index_cast %parallel_loop3A_324 : i32 to index
        %parallel_loop3A_326 = arith.index_cast %parallel_loop3A_271 : i32 to index
        %parallel_loop3A_327 = arith.constant 96 : index
        %parallel_loop3A_328 = tpu.vector_load %arg15[%parallel_loop3A_325, %parallel_loop3A_326, %parallel_loop3A_327] {strides = array<i32>} : memref<2x96x128xf32, #tpu.memory_space<vmem>>, vector<16xf32>,
        tpu.vector_store %arg15[%parallel_loop3A_325, %parallel_loop3A_326, %parallel_loop3A_327], %parallel_loop3A_323 {strides = array<i32>} : memref<2x96x128xf32, #tpu.memory_space<vmem>>, vector<16xf32>,
        %parallel_loop3A_329 = arith.constant 1 : i32
        %parallel_loop3A_330 = vector.broadcast %parallel_loop3A_329 : i32 to vector<16xi32>
        %parallel_loop3A_331 = tpu.vector_load_idx %arg13[%parallel_loop3A_330, %parallel_loop3A_272, %get3A_17] : memref<3x96x128xf32, #tpu.memory_space<vmem>>[vector<16xi32>, vector<16xi32>, vector<16xi32>], vector<16xf32>,
        %parallel_loop3A_332 = arith.constant 0 : i32
        %parallel_loop3A_333 = arith.index_cast %parallel_loop3A_332 : i32 to index
        %parallel_loop3A_334 = arith.index_cast %parallel_loop3A_271 : i32 to index
        %parallel_loop3A_335 = arith.constant 112 : index
        %parallel_loop3A_336 = tpu.vector_load %arg15[%parallel_loop3A_333, %parallel_loop3A_334, %parallel_loop3A_335] {strides = array<i32>} : memref<2x96x128xf32, #tpu.memory_space<vmem>>, vector<16xf32>,
        tpu.vector_store %arg15[%parallel_loop3A_333, %parallel_loop3A_334, %parallel_loop3A_335], %parallel_loop3A_331 {strides = array<i32>} : memref<2x96x128xf32, #tpu.memory_space<vmem>>, vector<16xf32>,
        %parallel_loop3A_337 = arith.constant 2 : i32
        %parallel_loop3A_338 = vector.broadcast %parallel_loop3A_337 : i32 to vector<16xi32>
        %parallel_loop3A_339 = tpu.vector_load_idx %arg13[%parallel_loop3A_338, %parallel_loop3A_272, %get3A_19] : memref<3x96x128xf32, #tpu.memory_space<vmem>>[vector<16xi32>, vector<16xi32>, vector<16xi32>], vector<16xf32>,
        %parallel_loop3A_340 = arith.constant 1 : i32
        %parallel_loop3A_341 = arith.index_cast %parallel_loop3A_340 : i32 to index
        %parallel_loop3A_342 = arith.index_cast %parallel_loop3A_271 : i32 to index
        %parallel_loop3A_343 = arith.constant 0 : index
        %parallel_loop3A_344 = tpu.vector_load %arg15[%parallel_loop3A_341, %parallel_loop3A_342, %parallel_loop3A_343] {strides = array<i32>} : memref<2x96x128xf32, #tpu.memory_space<vmem>>, vector<16xf32>,
        tpu.vector_store %arg15[%parallel_loop3A_341, %parallel_loop3A_342, %parallel_loop3A_343], %parallel_loop3A_339 {strides = array<i32>} : memref<2x96x128xf32, #tpu.memory_space<vmem>>, vector<16xf32>,
        %parallel_loop3A_345 = arith.constant 2 : i32
        %parallel_loop3A_346 = vector.broadcast %parallel_loop3A_345 : i32 to vector<16xi32>
        %parallel_loop3A_347 = tpu.vector_load_idx %arg13[%parallel_loop3A_346, %parallel_loop3A_272, %get3A_21] : memref<3x96x128xf32, #tpu.memory_space<vmem>>[vector<16xi32>, vector<16xi32>, vector<16xi32>], vector<16xf32>,
        %parallel_loop3A_348 = arith.constant 1 : i32
        %parallel_loop3A_349 = arith.index_cast %parallel_loop3A_348 : i32 to index
        %parallel_loop3A_350 = arith.index_cast %parallel_loop3A_271 : i32 to index
        %parallel_loop3A_351 = arith.constant 16 : index
        %parallel_loop3A_352 = tpu.vector_load %arg15[%parallel_loop3A_349, %parallel_loop3A_350, %parallel_loop3A_351] {strides = array<i32>} : memref<2x96x128xf32, #tpu.memory_space<vmem>>, vector<16xf32>,
        tpu.vector_store %arg15[%parallel_loop3A_349, %parallel_loop3A_350, %parallel_loop3A_351], %parallel_loop3A_347 {strides = array<i32>} : memref<2x96x128xf32, #tpu.memory_space<vmem>>, vector<16xf32>,
        %parallel_loop3A_353 = arith.constant 2 : i32
        %parallel_loop3A_354 = vector.broadcast %parallel_loop3A_353 : i32 to vector<16xi32>
        %parallel_loop3A_355 = tpu.vector_load_idx %arg13[%parallel_loop3A_354, %parallel_loop3A_272, %get3A_23] : memref<3x96x128xf32, #tpu.memory_space<vmem>>[vector<16xi32>, vector<16xi32>, vector<16xi32>], vector<16xf32>,
        %parallel_loop3A_356 = arith.constant 1 : i32
        %parallel_loop3A_357 = arith.index_cast %parallel_loop3A_356 : i32 to index
        %parallel_loop3A_358 = arith.index_cast %parallel_loop3A_271 : i32 to index
        %parallel_loop3A_359 = arith.constant 32 : index
        %parallel_loop3A_360 = tpu.vector_load %arg15[%parallel_loop3A_357, %parallel_loop3A_358, %parallel_loop3A_359] {strides = array<i32>} : memref<2x96x128xf32, #tpu.memory_space<vmem>>, vector<16xf32>,
        tpu.vector_store %arg15[%parallel_loop3A_357, %parallel_loop3A_358, %parallel_loop3A_359], %parallel_loop3A_355 {strides = array<i32>} : memref<2x96x128xf32, #tpu.memory_space<vmem>>, vector<16xf32>,
        %parallel_loop3A_361 = arith.constant 2 : i32
        %parallel_loop3A_362 = vector.broadcast %parallel_loop3A_361 : i32 to vector<16xi32>
        %parallel_loop3A_363 = tpu.vector_load_idx %arg13[%parallel_loop3A_362, %parallel_loop3A_272, %get3A_25] : memref<3x96x128xf32, #tpu.memory_space<vmem>>[vector<16xi32>, vector<16xi32>, vector<16xi32>], vector<16xf32>,
        %parallel_loop3A_364 = arith.constant 1 : i32
        %parallel_loop3A_365 = arith.index_cast %parallel_loop3A_364 : i32 to index
        %parallel_loop3A_366 = arith.index_cast %parallel_loop3A_271 : i32 to index
        %parallel_loop3A_367 = arith.constant 48 : index
        %parallel_loop3A_368 = tpu.vector_load %arg15[%parallel_loop3A_365, %parallel_loop3A_366, %parallel_loop3A_367] {strides = array<i32>} : memref<2x96x128xf32, #tpu.memory_space<vmem>>, vector<16xf32>,
        tpu.vector_store %arg15[%parallel_loop3A_365, %parallel_loop3A_366, %parallel_loop3A_367], %parallel_loop3A_363 {strides = array<i32>} : memref<2x96x128xf32, #tpu.memory_space<vmem>>, vector<16xf32>,
      } {sc.loop_unroll_factor = 2 : i64, sc.parallel_access}
      %dma_start3A_247 = arith.constant 0 : i32
      %dma_start3A_248 = arith.constant 0 : i32
      %dma_start3A_249 = arith.constant 0 : i32
      %dma_start3A_250 = arith.constant 0 : i32
      %dma_start3A_251 = tpu.memref_slice %arg15[%dma_start3A_247, %dma_start3A_249, %dma_start3A_250] : memref<2x96x128xf32, #tpu.memory_space<vmem>> -> memref<1x96x128xf32, #tpu.memory_space<vmem>>
      %dma_start3A_252 = tpu.memref_squeeze %dma_start3A_251 : memref<1x96x128xf32, #tpu.memory_space<vmem>> -> memref<96x128xf32, #tpu.memory_space<vmem>>
      %dma_start3A_253 = arith.constant 0 : i32
      %dma_start3A_254 = tpu.memref_slice %arg10[%dma_start3A_248, %dma_start3A_253] : memref<2x96xi32, #tpu.memory_space<vmem>> -> memref<1x96xi32, #tpu.memory_space<vmem>>
      %dma_start3A_255 = tpu.memref_squeeze %dma_start3A_254 : memref<1x96xi32, #tpu.memory_space<vmem>> -> memref<96xi32, #tpu.memory_space<vmem>>
      %dma_start3A_256 = arith.constant 0 : i32
      %dma_start3A_257 = arith.constant 0 : i32
      %dma_start3A_258 = tpu.memref_slice %arg6[%dma_start3A_256, %dma_start3A_257] : memref<294912x128xf32, #tpu.memory_space<hbm>> -> memref<294912x128xf32, #tpu.memory_space<hbm>>
      tpu.enqueue_indirect_dma source(%dma_start3A_252 : memref<96x128xf32, #tpu.memory_space<vmem>>) target(%dma_start3A_258 : memref<294912x128xf32, #tpu.memory_space<hbm>>) offsets(%dma_start3A_255 : memref<96xi32, #tpu.memory_space<vmem>>) semaphore(%arg19 : memref<!tpu.dma_semaphore, #tpu.memory_space<semaphore_mem>>)
      %dma_start3A_259 = arith.constant 1 : i32
      %dma_start3A_260 = arith.constant 1 : i32
      %dma_start3A_261 = arith.constant 0 : i32
      %dma_start3A_262 = arith.constant 0 : i32
      %dma_start3A_263 = tpu.memref_slice %arg15[%dma_start3A_259, %dma_start3A_261, %dma_start3A_262] : memref<2x96x128xf32, #tpu.memory_space<vmem>> -> memref<1x96x128xf32, #tpu.memory_space<vmem>>
      %dma_start3A_264 = tpu.memref_squeeze %dma_start3A_263 : memref<1x96x128xf32, #tpu.memory_space<vmem>> -> memref<96x128xf32, #tpu.memory_space<vmem>>
      %dma_start3A_265 = arith.constant 0 : i32
      %dma_start3A_266 = tpu.memref_slice %arg10[%dma_start3A_260, %dma_start3A_265] : memref<2x96xi32, #tpu.memory_space<vmem>> -> memref<1x96xi32, #tpu.memory_space<vmem>>
      %dma_start3A_267 = tpu.memref_squeeze %dma_start3A_266 : memref<1x96xi32, #tpu.memory_space<vmem>> -> memref<96xi32, #tpu.memory_space<vmem>>
      %dma_start3A_268 = arith.constant 0 : i32
      %dma_start3A_269 = arith.constant 0 : i32
      %dma_start3A_270 = tpu.memref_slice %arg6[%dma_start3A_268, %dma_start3A_269] : memref<294912x128xf32, #tpu.memory_space<hbm>> -> memref<294912x128xf32, #tpu.memory_space<hbm>>
      tpu.enqueue_indirect_dma source(%dma_start3A_264 : memref<96x128xf32, #tpu.memory_space<vmem>>) target(%dma_start3A_270 : memref<294912x128xf32, #tpu.memory_space<hbm>>) offsets(%dma_start3A_267 : memref<96xi32, #tpu.memory_space<vmem>>) semaphore(%arg19 : memref<!tpu.dma_semaphore, #tpu.memory_space<semaphore_mem>>)
    }
    %scan3A_67 = arith.constant 24 : i32
    %dma_wait3A = arith.constant 0 : i32
    %dma_wait3A_68 = arith.constant 0 : i32
    %dma_wait3A_69 = arith.constant 0 : i32
    %dma_wait3A_70 = arith.constant 0 : i32
    %dma_wait3A_71 = tpu.memref_slice %arg14[%dma_wait3A, %dma_wait3A_69, %dma_wait3A_70] : memref<2x96x128xf32, #tpu.memory_space<vmem>> -> memref<1x96x128xf32, #tpu.memory_space<vmem>>
    %dma_wait3A_72 = tpu.memref_squeeze %dma_wait3A_71 : memref<1x96x128xf32, #tpu.memory_space<vmem>> -> memref<96x128xf32, #tpu.memory_space<vmem>>
    %dma_wait3A_73 = arith.constant 0 : i32
    %dma_wait3A_74 = tpu.memref_slice %arg9[%dma_wait3A_68, %dma_wait3A_73] : memref<2x96xi32, #tpu.memory_space<vmem>> -> memref<1x96xi32, #tpu.memory_space<vmem>>
    %dma_wait3A_75 = tpu.memref_squeeze %dma_wait3A_74 : memref<1x96xi32, #tpu.memory_space<vmem>> -> memref<96xi32, #tpu.memory_space<vmem>>
    %dma_wait3A_76 = arith.constant 0 : i32
    %dma_wait3A_77 = arith.constant 0 : i32
    %dma_wait3A_78 = tpu.memref_slice %arg6[%dma_wait3A_76, %dma_wait3A_77] : memref<294912x128xf32, #tpu.memory_space<hbm>> -> memref<294912x128xf32, #tpu.memory_space<hbm>>
    tpu.wait_indirect_dma semaphore(%arg18 : memref<!tpu.dma_semaphore, #tpu.memory_space<semaphore_mem>>) src(%dma_wait3A_72 : memref<96x128xf32, #tpu.memory_space<vmem>>) dst(%dma_wait3A_78 : memref<294912x128xf32, #tpu.memory_space<hbm>>)
    %dma_wait3A_79 = arith.constant 1 : i32
    %dma_wait3A_80 = arith.constant 1 : i32
    %dma_wait3A_81 = arith.constant 0 : i32
    %dma_wait3A_82 = arith.constant 0 : i32
    %dma_wait3A_83 = tpu.memref_slice %arg14[%dma_wait3A_79, %dma_wait3A_81, %dma_wait3A_82] : memref<2x96x128xf32, #tpu.memory_space<vmem>> -> memref<1x96x128xf32, #tpu.memory_space<vmem>>
    %dma_wait3A_84 = tpu.memref_squeeze %dma_wait3A_83 : memref<1x96x128xf32, #tpu.memory_space<vmem>> -> memref<96x128xf32, #tpu.memory_space<vmem>>
    %dma_wait3A_85 = arith.constant 0 : i32
    %dma_wait3A_86 = tpu.memref_slice %arg9[%dma_wait3A_80, %dma_wait3A_85] : memref<2x96xi32, #tpu.memory_space<vmem>> -> memref<1x96xi32, #tpu.memory_space<vmem>>
    %dma_wait3A_87 = tpu.memref_squeeze %dma_wait3A_86 : memref<1x96xi32, #tpu.memory_space<vmem>> -> memref<96xi32, #tpu.memory_space<vmem>>
    %dma_wait3A_88 = arith.constant 0 : i32
    %dma_wait3A_89 = arith.constant 0 : i32
    %dma_wait3A_90 = tpu.memref_slice %arg6[%dma_wait3A_88, %dma_wait3A_89] : memref<294912x128xf32, #tpu.memory_space<hbm>> -> memref<294912x128xf32, #tpu.memory_space<hbm>>
    tpu.wait_indirect_dma semaphore(%arg18 : memref<!tpu.dma_semaphore, #tpu.memory_space<semaphore_mem>>) src(%dma_wait3A_84 : memref<96x128xf32, #tpu.memory_space<vmem>>) dst(%dma_wait3A_90 : memref<294912x128xf32, #tpu.memory_space<hbm>>)
    %dma_wait3A_91 = arith.constant 0 : i32
    %dma_wait3A_92 = arith.constant 0 : i32
    %dma_wait3A_93 = arith.constant 0 : i32
    %dma_wait3A_94 = arith.constant 0 : i32
    %dma_wait3A_95 = tpu.memref_slice %arg15[%dma_wait3A_91, %dma_wait3A_93, %dma_wait3A_94] : memref<2x96x128xf32, #tpu.memory_space<vmem>> -> memref<1x96x128xf32, #tpu.memory_space<vmem>>
    %dma_wait3A_96 = tpu.memref_squeeze %dma_wait3A_95 : memref<1x96x128xf32, #tpu.memory_space<vmem>> -> memref<96x128xf32, #tpu.memory_space<vmem>>
    %dma_wait3A_97 = arith.constant 0 : i32
    %dma_wait3A_98 = tpu.memref_slice %arg10[%dma_wait3A_92, %dma_wait3A_97] : memref<2x96xi32, #tpu.memory_space<vmem>> -> memref<1x96xi32, #tpu.memory_space<vmem>>
    %dma_wait3A_99 = tpu.memref_squeeze %dma_wait3A_98 : memref<1x96xi32, #tpu.memory_space<vmem>> -> memref<96xi32, #tpu.memory_space<vmem>>
    %dma_wait3A_100 = arith.constant 0 : i32
    %dma_wait3A_101 = arith.constant 0 : i32
    %dma_wait3A_102 = tpu.memref_slice %arg6[%dma_wait3A_100, %dma_wait3A_101] : memref<294912x128xf32, #tpu.memory_space<hbm>> -> memref<294912x128xf32, #tpu.memory_space<hbm>>
    tpu.wait_indirect_dma semaphore(%arg19 : memref<!tpu.dma_semaphore, #tpu.memory_space<semaphore_mem>>) src(%dma_wait3A_96 : memref<96x128xf32, #tpu.memory_space<vmem>>) dst(%dma_wait3A_102 : memref<294912x128xf32, #tpu.memory_space<hbm>>)
    %dma_wait3A_103 = arith.constant 1 : i32
    %dma_wait3A_104 = arith.constant 1 : i32
    %dma_wait3A_105 = arith.constant 0 : i32
    %dma_wait3A_106 = arith.constant 0 : i32
    %dma_wait3A_107 = tpu.memref_slice %arg15[%dma_wait3A_103, %dma_wait3A_105, %dma_wait3A_106] : memref<2x96x128xf32, #tpu.memory_space<vmem>> -> memref<1x96x128xf32, #tpu.memory_space<vmem>>
    %dma_wait3A_108 = tpu.memref_squeeze %dma_wait3A_107 : memref<1x96x128xf32, #tpu.memory_space<vmem>> -> memref<96x128xf32, #tpu.memory_space<vmem>>
    %dma_wait3A_109 = arith.constant 0 : i32
    %dma_wait3A_110 = tpu.memref_slice %arg10[%dma_wait3A_104, %dma_wait3A_109] : memref<2x96xi32, #tpu.memory_space<vmem>> -> memref<1x96xi32, #tpu.memory_space<vmem>>
    %dma_wait3A_111 = tpu.memref_squeeze %dma_wait3A_110 : memref<1x96xi32, #tpu.memory_space<vmem>> -> memref<96xi32, #tpu.memory_space<vmem>>
    %dma_wait3A_112 = arith.constant 0 : i32
    %dma_wait3A_113 = arith.constant 0 : i32
    %dma_wait3A_114 = tpu.memref_slice %arg6[%dma_wait3A_112, %dma_wait3A_113] : memref<294912x128xf32, #tpu.memory_space<hbm>> -> memref<294912x128xf32, #tpu.memory_space<hbm>>
    tpu.wait_indirect_dma semaphore(%arg19 : memref<!tpu.dma_semaphore, #tpu.memory_space<semaphore_mem>>) src(%dma_wait3A_108 : memref<96x128xf32, #tpu.memory_space<vmem>>) dst(%dma_wait3A_114 : memref<294912x128xf32, #tpu.memory_space<hbm>>)
    return
  }
}

</mosaic_0001>

<sc_bundles>
// kernel: kernel.3.cloned.1.call-start
scs
__scs_entry_jumppad:
0x0: {  	(pc) =	sbr.rel $0x88, $3  }
0x1: {  	(tag) =	ssettag $0x0;
	lr =	simm.s32 $0x1  }
0x2: {  	[smem:$0x3FA0] =	sst lr;
	_ =	strace $0xD0000000  }
0x3: {  	_ = 	snop  }
0x4: {  	_ = 	snop  }
0x5: {  	_ = 	snop  }
0x6: {  	_ = 	snop  }
0x7: {  	_ = 	snop  }
__scs_overlays_trampoline_lowered:
0x8: {  	[smem:$0x3FAF] =	sst s0  }
0x9: {  	[smem:$0x3FB0] =	sst s1  }
0xa: {  	[smem:$0x3FB1] =	sst s2  }
0xb: {  	[smem:$0x3FB2] =	sst s3  }
0xc: {  	[smem:$0x3FB3] =	sst s4  }
0xd: {  	[smem:$0x3FB4] =	sst s5  }
0xe: {  	[smem:$0x3FB5] =	sst s6  }
0xf: {  	[smem:$0x3FB6] =	sst s7  }
0x10: {  	[smem:$0x3FB7] =	sst s8  }
0x11: {  	[smem:$0x3FB8] =	sst s9;
	s0 =	simm.s32 @!p0 $0x0  }
0x12: {  	s1 =	sld [smem:$0x3F9E];
	s0 =	simm.s32 @p0 $0x1  }
0x13: {  	[smem:$0x3FB9] =	sst s0;
	s0 =	simm.s32 @!p1 $0x0  }
0x14: {  	s2 =	sld [smem:$0x3F9D];
	s0 =	simm.s32 @p1 $0x1  }
0x15: {  	[smem:$0x3FBA] =	sst s0;
	s0 =	simm.s32 @!p2 $0x0  }
0x16: {  	s3 =	sld [smem:$0x3FDB];
	s0 =	simm.s32 @p2 $0x1  }
0x17: {  	s4 =	simm.s32 $0x1BF5;
	[smem:$0x3FBC] =	sst s0  }
0x18: {  	s0 =	sld [smem:$0x3F9F];
	_ =	swait.ge [sflag:s4], $0x0  }
0x19: {  	s7 =	sld [smem:$0x3FA0]  }
0x1a: {  	s8 =	sadd.s32 $0xFFFFE003, lr  }
0x1b: {  	s9 =	sadd.s32 $0xFFFFFEF7, lr;
	s5 =	simm.s32 $0xFFFFFFFF;
	p2 =	slt.u32 s8, $0xFFFFF086  }
0x1c: {  	p1 =	slt.u32 s9, $0xF7A;
	s5 =	simm.s32 @!p2 $0x0  }
0x1d: {  	s5 =	simm.s32 @p1 $0x1;
	p0 =	seq.s32 s7, s2  }
0x1e: {  	s7 =	smul.u32 @!p0 $0xF7A, s2;
	p2 =	seq.s32 @!p0 s5, $0x0  }
0x1f: {  	s9 =	smul.u32 $0xF7A, s1;
	s8 =	simm.s32 @!p0 $0x1BF5;
	p2 =	por !p2, p0  }
0x20: {  	[sflag:s8] =	ssyncset.s32 @!p0 $0xFFFFF086;
	s6 =	sadd.s32 @!p0 s3, s7;
	s7 =	simm.s32 @!p0 $0x108  }
0x21: {  	s3 =	sadd.s32 s3, s9;
	s6 =	sadd.s32 @!p0 $0x88, s6;
	s7 =	simm.s32 @p2 $0x1082  }
0x22: {  	[simem:s7], [sflag:s8] =	dma.local @!p0 [hbm:s6], $0xF7A  }
0x23: {  	s9 =	sor.u32 $0xD0000000, s2;
	s6 =	simm.s32 $0x108;
	_ =	swait.ge @!p0 [sflag:s8], $0x0  }
0x24: {  	s3 =	sadd.s32 $0x88, s3;
	s6 =	simm.s32 @!p1 $0x1082;
	[sflag:s4] =	ssyncset.s32 $0xFFFFF086  }
0x25: {  	[simem:s6], [sflag:s4] =	dma.local [hbm:s3], $0xF7A  }
0x26: {  	[smem:$0x3FA0] =	sst s1;
	(tag) =	ssettag s2;
	_ =	strace s9  }
0x27: {  	s1 =	sld [smem:$0x3FB0]  }
0x28: {  	s2 =	sld [smem:$0x3FB1]  }
0x29: {  	s4 =	sld [smem:$0x3FB3]  }
0x2a: {  	p0 =	seq.s32 s5, $0x0;
	s5 =	sld [smem:$0x3FB4]  }
0x2b: {  	s6 =	sld [smem:$0x3FB5]  }
0x2c: {  	s7 =	sld [smem:$0x3FB6]  }
0x2d: {  	s3 =	simm.s32 $0x108;
	s8 =	sld [smem:$0x3FB7]  }
0x2e: {  	s3 =	simm.s32 @!p0 $0x1082;
	s9 =	sld [smem:$0x3FB8]  }
0x2f: {  	lr =	sadd.s32 s0, s3;
	s0 =	sld [smem:$0x3FAF]  }
0x30: {  	s3 =	sld [smem:$0x3FB2]  }
0x31: {  	[smem:$0x3FBB] =	sst s10  }
0x32: {  	s10 =	sld [smem:$0x3FB9];
	_ =	sdelay $0x3  }
0x33: {  	p0 =	seq.s32 s10, $0x1;
	s10 =	sld [smem:$0x3FBB];
	_ =	sdelay $0x3  }
0x34: {  	[smem:$0x3FBB] =	sst s10  }
0x35: {  	s10 =	sld [smem:$0x3FBA];
	_ =	sdelay $0x3  }
0x36: {  	p1 =	seq.s32 s10, $0x1;
	s10 =	sld [smem:$0x3FBB];
	_ =	sdelay $0x3  }
0x37: {  	[smem:$0x3FBB] =	sst s10  }
0x38: {  	s10 =	sld [smem:$0x3FBC]  }
0x39: {  	_ = 	snop;
	(pc) =	sbr.ind lr, $3  }
0x3a: {  	_ = 	snop  }
0x3b: {  	_ = 	snop  }
0x3c: {  	p2 =	seq.s32 s10, $0x1;
	s10 =	sld [smem:$0x3FBB]  }
0x3d: {  	_ =	shalt  }
0x3e: {  	_ =	shalt  }
0x3f: {  	_ =	shalt  }
0x40: {  	_ =	shalt  }
0x41: {  	_ =	shalt  }
0x42: {  	_ =	shalt  }
0x43: {  	_ =	shalt  }
0x44: {  	_ =	shalt  }
0x45: {  	_ =	shalt  }
0x46: {  	_ =	shalt  }
0x47: {  	_ =	shalt  }
0x48: {  	_ =	shalt  }
0x49: {  	_ =	shalt  }
0x4a: {  	_ =	shalt  }
0x4b: {  	_ =	shalt  }
0x4c: {  	_ =	shalt  }
0x4d: {  	_ =	shalt  }
0x4e: {  	_ =	shalt  }
0x4f: {  	_ =	shalt  }
0x50: {  	_ =	shalt  }
0x51: {  	_ =	shalt  }
0x52: {  	_ =	shalt  }
0x53: {  	_ =	shalt  }
0x54: {  	_ =	shalt  }
0x55: {  	_ =	shalt  }
0x56: {  	_ =	shalt  }
0x57: {  	_ =	shalt  }
0x58: {  	_ =	shalt  }
0x59: {  	_ =	shalt  }
0x5a: {  	_ =	shalt  }
0x5b: {  	_ =	shalt  }
0x5c: {  	_ =	shalt  }
0x5d: {  	_ =	shalt  }
0x5e: {  	_ =	shalt  }
0x5f: {  	_ =	shalt  }
0x60: {  	_ =	shalt  }
0x61: {  	_ =	shalt  }
0x62: {  	_ =	shalt  }
0x63: {  	_ =	shalt  }
0x64: {  	_ =	shalt  }
0x65: {  	_ =	shalt  }
0x66: {  	_ =	shalt  }
0x67: {  	_ =	shalt  }
0x68: {  	_ =	shalt  }
0x69: {  	_ =	shalt  }
0x6a: {  	_ =	shalt  }
0x6b: {  	_ =	shalt  }
0x6c: {  	_ =	shalt  }
0x6d: {  	_ =	shalt  }
0x6e: {  	_ =	shalt  }
0x6f: {  	_ =	shalt  }
0x70: {  	_ =	shalt  }
0x71: {  	_ =	shalt  }
0x72: {  	_ =	shalt  }
0x73: {  	_ =	shalt  }
0x74: {  	_ =	shalt  }
0x75: {  	_ =	shalt  }
0x76: {  	_ =	shalt  }
0x77: {  	_ =	shalt  }
0x78: {  	_ =	shalt  }
0x79: {  	_ =	shalt  }
0x7a: {  	_ =	shalt  }
0x7b: {  	_ =	shalt  }
0x7c: {  	_ =	shalt  }
0x7d: {  	_ =	shalt  }
0x7e: {  	_ =	shalt  }
0x7f: {  	_ =	shalt  }
0x80: {  	_ =	shalt  }
0x81: {  	_ =	shalt  }
0x82: {  	_ =	shalt  }
0x83: {  	_ =	shalt  }
0x84: {  	_ =	shalt  }
0x85: {  	_ =	shalt  }
0x86: {  	_ =	shalt  }
0x87: {  	_ =	shalt  }
.Lfunc_end0:
.L_simem_size_0:
called_computation_lowered:
.L_overlay_start_0:
0x88: {  	s2 =	sld [smem:$0x3FD9]  }
0x89: {  	s3 =	sld [smem:$0x3FFE];
	_ =	sdelay $0x1  }
0x8a: {  	s1 =	srdreg.scid  }
0x8b: {  	s0 =	sand.u32 $0x1, s1  }
0x8c: {  	s17 =	sshll.u32 s0, $0xA;
	s2 =	sadd.s32 s3, s2  }
0x8d: {  	s2 =	sadd.s32 s2, s17  }
0x8e: {  	[smem:$0x3FC7] =	sst s2  }
0x8f: {  	_ = 	snop  }
0x90: {  	s2 =	sld [smem:$0x3FC9]  }
0x91: {  	s18 =	sld [smem:$0x3FD0];
	(tm) =	ssettm $0x1  }
0x92: {  	s4 =	sld [smem:$0x3FFB];
	_ =	sdelay $0x3  }
0x93: {  	_ =	strace s4  }
0x94: {  	s4 =	sld [smem:$0x3FFC];
	_ =	sdelay $0x3  }
0x95: {  	_ =	strace s4  }
0x96: {  	s4 =	sld [smem:$0x3FFD];
	_ =	sdelay $0x3  }
0x97: {  	_ =	strace s4  }
0x98: {  	_ =	strace $0x8FFFFFFF  }
0x99: {  	s19 =	sld [smem:$0x3FDB];
	_ =	sdelay $0x1  }
0x9a: {  	s5 =	simm.s32 $_scs_section_size  }
0x9b: {  	s6 =	simm.s32 $_size__tile_overlayer_lowered;
	s7 =	simm.s32 $_tile_overlayer_lowered  }
0x9c: {  	s22 =	simm.s32 $0x1BFF;
	s21 =	sshll.u32 s7, $0x1;
	s4 =	sadd.s32 s5, s19  }
0x9d: {  	s8 =	simm.s32 $0x0;
	s20 =	sshll.u32 s6, $0x1;
	s6 =	sadd.s32 s21, s4  }
0x9e: {  	[timem:s8], [sflag:s22] =	dma.local [hbm:s6], s20  }
0x9f: {  	_ =	swait.ge [sflag:s22], s20  }
0xa0: {  	s5 =	ssub.s32 $0x0, s20;
	[sflag:s22] =	ssyncset.done $0x0  }
0xa1: {  	[sflag:s22] =	ssyncadd.s32 s5;
	_ =	sdelay $0x1  }
0xa2: {  	s23 =	simm.s32 $0x1B8B  }
0xa3: {  	_ =	swait.ge [sflag:s23], $0x1  }
0xa4: {  	[sflag:s23] =	ssyncset.done $0x0  }
0xa5: {  	s25 =	simm.s32 $0x1B8E;
	s24 =	sld [smem:$0x3FFE];
	[sflag:s23] =	ssyncadd.s32 $0xFFFFFFFF  }
0xa6: {  	s26 =	simm.s32 $execute0_lowered;
	[smem:$0x3FD2] =	sst s25  }
0xa7: {  	s6 =	sshll.u32 s26, $0x1;
	_ =	strace $0x80000046;
	[dreg:$0x1] =	wrdreg $0xFFFFFFFF  }
0xa8: {  	s28 =	simm.s32 $_size_execute0_lowered;
	s4 =	sadd.s32 s4, s6;
	[dreg:$0x0] =	wrdreg $0x0  }
0xa9: {  	s6 =	sshll.u32 s28, $0x1;
	[dreg:$0x2] =	wrdreg s4  }
0xaa: {  	[dreg:$0x3] =	wrdreg s6  }
0xab: {  	[dreg:$0x4] =	wrdreg $0xC0  }
0xac: {  	_ =	task [dreg:s8], $0x5FFFF  }
0xad: {  	[dreg:$0x1] =	wrdreg $0xFFFFFFFF  }
0xae: {  	[dreg:$0x0] =	wrdreg $0x60  }
0xaf: {  	[dreg:$0x2] =	wrdreg s2  }
0xb0: {  	[dreg:$0x3] =	wrdreg s24  }
0xb1: {  	[dreg:$0x4] =	wrdreg s18  }
0xb2: {  	[dreg:$0x5] =	wrdreg $0x9  }
0xb3: {  	_ =	task.clear_ibuf [dreg:s8], $0x6FFFF;
	_ =	strace $0x90000046  }
0xb4: {  	s29 =	simm.s32 $0x9;
	_ =	strace $0x80000048  }
0xb5: {  	_ =	swait.ge [sflag:s29], $0x1  }
0xb6: {  	[sflag:s29] =	ssyncadd.s32 $0xFFFFFFFF  }
0xb7: {  	_ =	strace $0x90000048  }
0xb8: {  	_ =	sfence  }
0xb9: {  	s30 =	sld [smem:$0x0];
	_ =	sdelay $0x2  }
0xba: {  	s31 =	sshll.u32 s1, $0xD;
	s1 =	sshrl.u32 s1, $0x2  }
0xbb: {  	s3 =	sand.u32 $0x4000, s31;
	s1 =	sadd.s32 s1, s30  }
0xbc: {  	s0 =	sor.u32 s3, s0;
	s1 =	sshll.u32 s1, $0x11  }
0xbd: {  	s0 =	sor.u32 s1, s0  }
0xbe: {  	s0 =	sadd.s32 $0x8F2B, s0  }
0xbf: {  	[sflag:s0] =	ssyncadd.remote.s32 $0x1  }
0xc0: {  	_ =	sfence.sel $0xFFFF  }
0xc1: {  	[dreg:$0x0] =	wrdreg $0xFFFFFFFF;
	(pc) =	sbr.abs _section_cstart, $3  }
0xc2: {  	[dreg:$0x1] =	wrdreg $0xFFFFFFFF  }
0xc3: {  	_ =	task.clear_ibuf [dreg:s8], $0x2FFFF;
	_ =	strace $0x9FFFFFFF  }
0xc4: {  	(tm) =	ssettm $0x7FFFFFFF  }
0xc5: {  	_ =	shalt  }
tec
execute0_lowered:
.L_overlay_start_1:
0x0: {  	(tag) =	ssettag $0x1  }
0x1: {  	s1 =	rddreg [dreg:$0x0]  }
0x2: {  	s0 =	rddreg [dreg:$0x1]  }
0x3: {  	s3 =	rddreg [dreg:$0x2];
	s2 =	srdreg.scid  }
0x4: {  	s5 =	stileid.u32;
	s4 =	simm.s32 $0x0;
	s13 =	simm.s32 $0x5  }
0x5: {  	s14 =	simm.s32 $0x60;
	s15 =	simm.s32 $0x480;
	s19 =	simm.s32 $0x1  }
0x6: {  	s20 =	simm.s32 $0x120;
	s21 =	simm.s32 $0x9480;
	s26 =	simm.s32 $0x240  }
0x7: {  	s31 =	simm.s32 $0x2;
	s2 =	sand.u32 $0x1, s2;
	s5 =	sshll.u32 s5, $0x1  }
0x8: {  	s16 =	simm.s32 $0x1B480;
	s18 =	simm.s32 $0x4;
	s7 =	sor.u32 s2, s5  }
0x9: {  	[smem:$0x7FF] =	sst s4;
	s6 =	sadd.s32 $0x9600, s0;
	s5 =	smul.u32 $0x30, s7  }
0xa: {  	_ =	strace $0x80000047;
	s2 =	ssub.s32 $0x2, s2;
	s8 =	smul.u32 $0x6C0, s7  }
0xb: {  	s7 =	sadd.s32 $0x600, s0;
	s0 =	sadd.s32 $0x16E00, s0;
	s29 =	sshrl.u32 s2, $0x1  }
0xc: {  	[dreg:$0x4] =	wrdreg s0;
	s0 =	ssub.s32 s2, s29;
	s30 =	sadd.s32 s6, s8  }
0xd: {  	s10 =	sor.u32 $0x2, s5;
	s0 =	smax.u32 s0, $0x1;
	[dreg:$0x5] =	wrdreg s30  }
0xe: {  	s8 =	simm.s32 $0x0;
	[dreg:$0x6] =	wrdreg s0;
	s0 =	simm.s32 $0x300  }
.LBB2_1:
0xf: {  	[dreg:$0x7] =	wrdreg s8  }
0x10: {  	s2 =	rddreg [dreg:$0x4];
	s24 =	simm.s32 $0x3C0  }
0x11: {  	[tilespmem:s24], [sflag:$0x5] =	stream.linear.gather [hbm4b:s2+s4], $0xC0, $0x38;
	[tilespmem:$0x1E480] =	vst v63  }
0x12: {  	_ =	swait.ge [sflag:s13], $0xC0  }
0x13: {  	[sflag:s13] =	ssyncset.done $0x0  }
0x14: {  	[sflag:s13] =	ssyncadd.s32 $0xFFFFFF40  }
0x15: {  	v0 =	vld [tilespmem:$0x3C0]  }
0x16: {  	v1 =	vld [tilespmem:$0x3D0]  }
0x17: {  	v2 =	vld [tilespmem:$0x3E0]  }
0x18: {  	v3 =	vld [tilespmem:$0x3F0]  }
0x19: {  	v4 =	vld [tilespmem:$0x400]  }
0x1a: {  	v5 =	vld [tilespmem:$0x410]  }
0x1b: {  	v6 =	vld [tilespmem:$0x420]  }
0x1c: {  	v7 =	vld [tilespmem:$0x430]  }
0x1d: {  	v8 =	vld [tilespmem:$0x440]  }
0x1e: {  	v9 =	vld [tilespmem:$0x450]  }
0x1f: {  	s25 =	rddreg [dreg:$0x5];
	v10 =	vld [tilespmem:$0x460]  }
0x20: {  	v11 =	vld [tilespmem:$0x470];
	[tilespmem:s4], [sflag:$0x5] =	stream.linear.gather [hbm4b:s25+s4], $0x120, $0x38  }
0x21: {  	_ =	swait.ge [sflag:s13], $0x120  }
0x22: {  	[sflag:s13] =	ssyncset.done $0x0  }
0x23: {  	[sflag:s13] =	ssyncadd.s32 $0xFFFFFEE0  }
0x24: {  	[tilespmem:s15], [sflag:$0x1] =	stream.indirect.gather [hbm4b:s1+s14], $0x80, s4, s14, $0xb8;
	[tilespmem:$0x1E480] =	vst v63  }
0x25: {  	s28 =	simm.s32 $0x3480  }
0x26: {  	[tilespmem:s28], [sflag:$0x1] =	stream.indirect.gather [hbm4b:s1+s14], $0x80, s14, s14, $0xb8;
	[tilespmem:$0x1E480] =	vst v63  }
0x27: {  	s29 =	simm.s32 $0xC0;
	s30 =	simm.s32 $0x6480;
	s9 =	simm.s32 $0x0  }
0x28: {  	[tilespmem:s30], [sflag:$0x1] =	stream.indirect.gather [hbm4b:s1+s14], $0x80, s29, s14, $0xb8;
	[tilespmem:$0x1E480] =	vst v63  }
.LBB2_2:
0x29: {  	_ =	swait.ge [sflag:s19], $0x3000  }
0x2a: {  	[sflag:s19] =	ssyncset.done $0x0  }
0x2b: {  	[sflag:s19] =	ssyncadd.s32 $0xFFFFD000  }
0x2c: {  	s17 =	sshll.u32 s9, $0x1;
	_ =	swait.ge [sflag:s19], $0x3000  }
0x2d: {  	s2 =	sadd.s32 s17, s5;
	[sflag:s19] =	ssyncset.done $0x0  }
0x2e: {  	s11 =	sadd.s32 $0x1, s2;
	[sflag:s19] =	ssyncadd.s32 $0xFFFFD000  }
0x2f: {  	s2 =	smul.u32 $0x24, s11;
	_ =	swait.ge [sflag:s19], $0x3000  }
0x30: {  	[sflag:s19] =	ssyncset.done $0x0  }
0x31: {  	s2 =	sadd.s32 s6, s2;
	[sflag:s19] =	ssyncadd.s32 $0xFFFFD000  }
0x32: {  	[tilespmem:s20], [sflag:$0x5] =	stream.linear.gather [hbm4b:s2+s4], $0x120, $0x38;
	[tilespmem:$0x1E480] =	vst v63  }
0x33: {  	_ =	swait.ge [sflag:s13], $0x120  }
0x34: {  	[sflag:s13] =	ssyncset.done $0x0  }
0x35: {  	[sflag:s13] =	ssyncadd.s32 $0xFFFFFEE0  }
0x36: {  	[tilespmem:s21], [sflag:$0x2] =	stream.indirect.gather [hbm4b:s1+s14], $0x80, s20, s14, $0xb8;
	[tilespmem:$0x1E480] =	vst v63  }
0x37: {  	s22 =	simm.s32 $0x180;
	s8 =	simm.s32 $0xC480;
	p0 =	seq.s32 s9, $0x0  }
0x38: {  	[tilespmem:s8], [sflag:$0x2] =	stream.indirect.gather [hbm4b:s1+s14], $0x80, s22, s14, $0xb8;
	[tilespmem:$0x1E480] =	vst v63  }
0x39: {  	s23 =	simm.s32 $0x1E0;
	s24 =	simm.s32 $0xF480;
	s2 =	simm.s32 @!p0 $0x3  }
0x3a: {  	[tilespmem:s24], [sflag:$0x2] =	stream.indirect.gather [hbm4b:s1+s14], $0x80, s23, s14, $0xb8;
	[tilespmem:$0x1E480] =	vst v63  }
0x3b: {  	_ =	swait.ge @!p0 [sflag:s2], $0x3000  }
0x3c: {  	[sflag:s2] =	ssyncset.done @!p0 $0x0  }
0x3d: {  	s25 =	sadd.s32 s5, s17;
	[sflag:s2] =	ssyncadd.s32 @!p0 $0xFFFFD000  }
0x3e: {  	s8 =	smul.u32 $0x18, s25;
	_ =	swait.ge @!p0 [sflag:s2], $0x3000  }
0x3f: {  	s22 =	simm.s32 $0x80;
	[sflag:s2] =	ssyncset.done @!p0 $0x0  }
0x40: {  	v12 =	vadd.s32 s22, v0;
	s12 =	sadd.s32 s7, s8;
	s23 =	simm.s32 $0x0;
	[sflag:s2] =	ssyncadd.s32 @!p0 $0xFFFFD000  }
0x41: {  	[tilespmem:s26], [sflag:$0x5] =	stream.linear.gather [hbm4b:s12+s23], $0xC0, $0x38;
	[tilespmem:$0x1E480] =	vst v63  }
0x42: {  	_ =	swait.ge [sflag:s13], $0xC0  }
0x43: {  	[sflag:s13] =	ssyncset.done $0x0  }
0x44: {  	[sflag:s13] =	ssyncadd.s32 $0xFFFFFF40  }
0x45: {  	v12 =	vld.idx.msk [tilespmem:v12+s15+$0x0], $0xffff  }
0x46: {  	v13 =	vadd.s32 s22, v1;
	_ =	sdelay $0x2  }
0x47: {  	s24 =	simm.s32 $0x0;
	s23 =	simm.s32 $0x12480  }
0x48: {  	v14 =	vadd.s32 s24, v0;
	[tilespmem:s23+$0x80] =	vst v12  }
0x49: {  	v12 =	vld.idx.msk [tilespmem:v13+s15+$0x0], $0xffff  }
0x4a: {  	v13 =	vadd.s32 s22, v2;
	_ =	sdelay $0x2  }
0x4b: {  	v14 =	vld.idx.msk [tilespmem:v14+s15+$0x0], $0xffff  }
0x4c: {  	v15 =	vadd.s32 s24, v1;
	[tilespmem:s23+$0x90] =	vst v12  }
0x4d: {  	v12 =	vld.idx.msk [tilespmem:v13+s15+$0x0], $0xffff  }
0x4e: {  	v13 =	vadd.s32 s22, v3;
	_ =	sdelay $0x1  }
0x4f: {  	s25 =	simm.s32 $0x180;
	[tilespmem:s23+$0x0] =	vst v14  }
0x50: {  	v14 =	vld.idx.msk [tilespmem:v15+s15+$0x0], $0xffff;
	v15 =	vadd.s32 s25, v0  }
0x51: {  	v16 =	vadd.s32 s24, v2;
	[tilespmem:s23+$0xA0] =	vst v12;
	v12 =	vmov s22  }
0x52: {  	v13 =	vld.idx.msk [tilespmem:v13+s15+$0x0], $0xffff;
	v17 =	vadd.s32 $0x3000, v12  }
0x53: {  	v18 =	vadd.s32 v4, v17  }
0x54: {  	s12 =	simm.s32 $0x100  }
0x55: {  	[tilespmem:s23+$0x10] =	vst v14;
	v14 =	vadd.s32 s12, v0;
	v15 =	vld.idx.msk [tilespmem:v15+s15+$0x0], $0xffff  }
0x56: {  	v19 =	vadd.s32 s25, v1;
	v16 =	vld.idx.msk [tilespmem:v16+s15+$0x0], $0xffff  }
0x57: {  	v20 =	vadd.s32 s24, v3;
	[tilespmem:s23+$0xB0] =	vst v13  }
0x58: {  	v13 =	vld.idx.msk [tilespmem:v18+s15+$0x0], $0xffff  }
0x59: {  	s8 =	simm.s32 $0x12580;
	v18 =	vadd.s32 v5, v17  }
0x5a: {  	v14 =	vld.idx.msk [tilespmem:v14+s15+$0x0], $0xffff;
	[tilespmem:s8+$0x80] =	vst v15  }
0x5b: {  	v21 =	vadd.s32 s12, v1;
	v15 =	vmov s24;
	[tilespmem:s23+$0x20] =	vst v16;
	v16 =	vld.idx.msk [tilespmem:v19+s15+$0x0], $0xffff  }
0x5c: {  	v22 =	vadd.s32 s25, v2;
	v19 =	vadd.s32 $0x3000, v15;
	v20 =	vld.idx.msk [tilespmem:v20+s15+$0x0], $0xffff  }
0x5d: {  	v23 =	vadd.s32 v4, v19;
	[tilespmem:s23+$0xC0] =	vst v13  }
0x5e: {  	v13 =	vld.idx.msk [tilespmem:v18+s15+$0x0], $0xffff  }
0x5f: {  	[tilespmem:s8+$0x0] =	vst v14;
	v14 =	vadd.s32 v6, v17  }
0x60: {  	[tilespmem:s8+$0x90] =	vst v16;
	v18 =	vld.idx.msk [tilespmem:v21+s15+$0x0], $0xffff  }
0x61: {  	v16 =	vadd.s32 s12, v2;
	[tilespmem:s23+$0x30] =	vst v20;
	v20 =	vld.idx.msk [tilespmem:v22+s15+$0x0], $0xffff  }
0x62: {  	v22 =	vadd.s32 s25, v3;
	v21 =	vld.idx.msk [tilespmem:v23+s15+$0x0], $0xffff  }
0x63: {  	s28 =	simm.s32 $0x280;
	v23 =	vadd.s32 v5, v19;
	[tilespmem:s23+$0xD0] =	vst v13  }
0x64: {  	v13 =	vld.idx.msk [tilespmem:v14+s15+$0x0], $0xffff;
	v14 =	vadd.s32 s28, v0  }
0x65: {  	s24 =	simm.s32 $0x200;
	v17 =	vadd.s32 v7, v17;
	[tilespmem:s8+$0x10] =	vst v18  }
0x66: {  	[tilespmem:s8+$0xA0] =	vst v20;
	v20 =	vmov s25;
	v18 =	vadd.s32 s24, v0;
	v16 =	vld.idx.msk [tilespmem:v16+s15+$0x0], $0xffff  }
0x67: {  	v24 =	vadd.s32 s12, v3;
	[tilespmem:s23+$0x40] =	vst v21;
	v21 =	vld.idx.msk [tilespmem:v22+s15+$0x0], $0xffff;
	v22 =	vadd.s32 $0x3000, v20  }
0x68: {  	v23 =	vld.idx.msk [tilespmem:v23+s15+$0x0], $0xffff;
	v25 =	vadd.s32 v4, v22  }
0x69: {  	v26 =	vadd.s32 v6, v19;
	v14 =	vld.idx.msk [tilespmem:v14+s15+$0x0], $0xffff;
	[tilespmem:s23+$0xE0] =	vst v13  }
0x6a: {  	v12 =	vadd.s32 $0x6000, v12;
	v13 =	vld.idx.msk [tilespmem:v17+s15+$0x0], $0xffff;
	v17 =	vadd.s32 s28, v1  }
0x6b: {  	v27 =	vmov s12;
	[tilespmem:s8+$0x20] =	vst v16;
	v16 =	vld.idx.msk [tilespmem:v18+s15+$0x0], $0xffff;
	v18 =	vadd.s32 v8, v12  }
0x6c: {  	v28 =	vadd.s32 $0x3000, v27;
	v29 =	vadd.s32 s24, v1;
	[tilespmem:s8+$0xB0] =	vst v21;
	v24 =	vld.idx.msk [tilespmem:v24+s15+$0x0], $0xffff  }
0x6d: {  	s22 =	simm.s32 $0x12680;
	v21 =	vadd.s32 v4, v28;
	[tilespmem:s23+$0x50] =	vst v23;
	v23 =	vld.idx.msk [tilespmem:v25+s15+$0x0], $0xffff  }
0x6e: {  	v25 =	vld.idx.msk [tilespmem:v26+s15+$0x0], $0xffff;
	[tilespmem:s22+$0x80] =	vst v14;
	v14 =	vadd.s32 v5, v22  }
0x6f: {  	v19 =	vadd.s32 v7, v19;
	v17 =	vld.idx.msk [tilespmem:v17+s15+$0x0], $0xffff;
	[tilespmem:s23+$0xF0] =	vst v13  }
0x70: {  	[tilespmem:s22+$0x0] =	vst v16;
	v16 =	vadd.s32 s28, v2;
	v13 =	vld.idx.msk [tilespmem:v18+s15+$0x0], $0xffff  }
0x71: {  	[tilespmem:s8+$0x30] =	vst v24;
	v24 =	vadd.s32 v9, v12;
	v18 =	vld.idx.msk [tilespmem:v29+s15+$0x0], $0xffff  }
0x72: {  	v26 =	vadd.s32 s24, v2;
	[tilespmem:s8+$0xC0] =	vst v23;
	v21 =	vld.idx.msk [tilespmem:v21+s15+$0x0], $0xffff  }
0x73: {  	v23 =	vadd.s32 v5, v28;
	[tilespmem:s23+$0x60] =	vst v25;
	v14 =	vld.idx.msk [tilespmem:v14+s15+$0x0], $0xffff  }
0x74: {  	v15 =	vadd.s32 $0x6000, v15;
	v19 =	vld.idx.msk [tilespmem:v19+s15+$0x0], $0xffff;
	[tilespmem:s22+$0x90] =	vst v17;
	v17 =	vadd.s32 v6, v22  }
0x75: {  	v25 =	vadd.s32 v8, v15;
	v16 =	vld.idx.msk [tilespmem:v16+s15+$0x0], $0xffff;
	[tilespmem:s23+$0x3080] =	vst v13  }
0x76: {  	s29 =	simm.s32 $0x380;
	[tilespmem:s22+$0x10] =	vst v18;
	v18 =	vadd.s32 s28, v3;
	v13 =	vld.idx.msk [tilespmem:v24+s15+$0x0], $0xffff  }
0x77: {  	[tilespmem:s8+$0x40] =	vst v21;
	v24 =	vld.idx.msk [tilespmem:v26+s15+$0x0], $0xffff;
	v26 =	vadd.s32 s29, v0  }
0x78: {  	s12 =	simm.s32 $0x300;
	v21 =	vadd.s32 v10, v12;
	v23 =	vld.idx.msk [tilespmem:v23+s15+$0x0], $0xffff;
	[tilespmem:s8+$0xD0] =	vst v14  }
0x79: {  	[tilespmem:s23+$0x70] =	vst v19;
	v14 =	vadd.s32 s12, v0;
	v17 =	vld.idx.msk [tilespmem:v17+s15+$0x0], $0xffff  }
0x7a: {  	v19 =	vld.idx.msk [tilespmem:v25+s15+$0x0], $0xffff;
	[tilespmem:s22+$0xA0] =	vst v16;
	v16 =	vadd.s32 v7, v22  }
0x7b: {  	v25 =	vmov s28;
	v22 =	vadd.s32 s24, v3;
	v18 =	vld.idx.msk [tilespmem:v18+s15+$0x0], $0xffff;
	[tilespmem:s23+$0x3090] =	vst v13  }
0x7c: {  	v29 =	vadd.s32 $0x3000, v25;
	v13 =	vadd.s32 v6, v28;
	v26 =	vld.idx.msk [tilespmem:v26+s15+$0x0], $0xffff;
	[tilespmem:s22+$0x20] =	vst v24  }
0x7d: {  	v30 =	vadd.s32 v4, v29;
	[tilespmem:s8+$0x50] =	vst v23;
	v21 =	vld.idx.msk [tilespmem:v21+s15+$0x0], $0xffff  }
0x7e: {  	v23 =	vadd.s32 s29, v1;
	v14 =	vld.idx.msk [tilespmem:v14+s15+$0x0], $0xffff;
	[tilespmem:s8+$0xE0] =	vst v17  }
0x7f: {  	v20 =	vadd.s32 $0x6000, v20;
	[tilespmem:s23+$0x3000] =	vst v19;
	v17 =	vadd.s32 v9, v15;
	v16 =	vld.idx.msk [tilespmem:v16+s15+$0x0], $0xffff  }
0x80: {  	v24 =	vmov s24;
	s24 =	simm.s32 $0x12780;
	v22 =	vld.idx.msk [tilespmem:v22+s15+$0x0], $0xffff;
	[tilespmem:s22+$0xB0] =	vst v18;
	v18 =	vadd.s32 v8, v20  }
0x81: {  	v32 =	vadd.s32 s12, v1;
	v31 =	vadd.s32 $0x3000, v24;
	v13 =	vld.idx.msk [tilespmem:v13+s15+$0x0], $0xffff;
	[tilespmem:s24+$0x80] =	vst v26  }
0x82: {  	v30 =	vld.idx.msk [tilespmem:v30+s15+$0x0], $0xffff;
	[tilespmem:s23+$0x30A0] =	vst v21;
	v21 =	vadd.s32 v4, v31  }
0x83: {  	v26 =	vadd.s32 v7, v28;
	v23 =	vld.idx.msk [tilespmem:v23+s15+$0x0], $0xffff;
	[tilespmem:s24+$0x0] =	vst v14  }
0x84: {  	v19 =	vadd.s32 v5, v29;
	v17 =	vld.idx.msk [tilespmem:v17+s15+$0x0], $0xffff;
	[tilespmem:s8+$0xF0] =	vst v16  }
0x85: {  	v12 =	vadd.s32 v11, v12;
	[tilespmem:s22+$0x30] =	vst v22;
	v14 =	vld.idx.msk [tilespmem:v18+s15+$0x0], $0xffff  }
0x86: {  	v16 =	vadd.s32 s29, v2;
	v18 =	vld.idx.msk [tilespmem:v32+s15+$0x0], $0xffff;
	[tilespmem:s8+$0x60] =	vst v13  }
0x87: {  	v22 =	vadd.s32 v9, v20;
	v21 =	vld.idx.msk [tilespmem:v21+s15+$0x0], $0xffff;
	[tilespmem:s22+$0xC0] =	vst v30  }
0x88: {  	v28 =	vadd.s32 s12, v2;
	[tilespmem:s24+$0x90] =	vst v23;
	v23 =	vld.idx.msk [tilespmem:v26+s15+$0x0], $0xffff  }
0x89: {  	v26 =	vadd.s32 v10, v15;
	v19 =	vld.idx.msk [tilespmem:v19+s15+$0x0], $0xffff;
	[tilespmem:s23+$0x3010] =	vst v17  }
0x8a: {  	v12 =	vld.idx.msk [tilespmem:v12+s15+$0x0], $0xffff;
	v30 =	vadd.s32 v5, v31;
	[tilespmem:s8+$0x3080] =	vst v14  }
0x8b: {  	s28 =	simm.s32 $0x480;
	v13 =	vadd.s32 v6, v29;
	v16 =	vld.idx.msk [tilespmem:v16+s15+$0x0], $0xffff;
	[tilespmem:s24+$0x10] =	vst v18  }
0x8c: {  	v17 =	vadd.s32 s28, v0;
	v18 =	vld.idx.msk [tilespmem:v22+s15+$0x0], $0xffff;
	[tilespmem:s22+$0x40] =	vst v21  }
0x8d: {  	v60 =	vadd.s32 s29, v3;
	v28 =	vld.idx.msk [tilespmem:v28+s15+$0x0], $0xffff;
	[tilespmem:s8+$0x70] =	vst v23  }
0x8e: {  	v27 =	vadd.s32 $0x6000, v27;
	v23 =	vld.idx.msk [tilespmem:v26+s15+$0x0], $0xffff;
	[tilespmem:s22+$0xD0] =	vst v19;
	v19 =	vadd.s32 v10, v20  }
0x8f: {  	s30 =	simm.s32 $0x400;
	v14 =	vadd.s32 v8, v27;
	v21 =	vld.idx.msk [tilespmem:v30+s15+$0x0], $0xffff  }
0x90: {  	[tilespmem:s23+$0x30B0] =	vst v12;
	v30 =	vadd.s32 s30, v0;
	v13 =	vld.idx.msk [tilespmem:v13+s15+$0x0], $0xffff  }
0x91: {  	v26 =	vadd.s32 s12, v3;
	v17 =	vld.idx.msk [tilespmem:v17+s15+$0x0], $0xffff;
	[tilespmem:s24+$0xA0] =	vst v16  }
0x92: {  	v22 =	vmov s29;
	v16 =	vadd.s32 v7, v29;
	v33 =	vld.idx.msk [tilespmem:v60+s15+$0x0], $0xffff;
	[tilespmem:s8+$0x3090] =	vst v18  }
0x93: {  	v29 =	vadd.s32 $0x3000, v22;
	v18 =	vadd.s32 v6, v31;
	[tilespmem:s24+$0x20] =	vst v28;
	v12 =	vld.idx.msk [tilespmem:v19+s15+$0x0], $0xffff  }
0x94: {  	v14 =	vld.idx.msk [tilespmem:v14+s15+$0x0], $0xffff;
	v28 =	vadd.s32 v4, v29;
	[tilespmem:s23+$0x3020] =	vst v23  }
0x95: {  	v35 =	vadd.s32 v9, v27;
	v32 =	vadd.s32 v10, v27;
	v19 =	vld.idx.msk [tilespmem:v30+s15+$0x0], $0xffff;
	[tilespmem:s22+$0x50] =	vst v21  }
0x96: {  	v21 =	vadd.s32 s28, v1;
	v26 =	vld.idx.msk [tilespmem:v26+s15+$0x0], $0xffff;
	v30 =	vadd.s32 $0x6000, v25;
	v25 =	vmov s12;
	[tilespmem:s22+$0xE0] =	vst v13  }
0x97: {  	v20 =	vadd.s32 v11, v20;
	v13 =	vadd.s32 v11, v27;
	v27 =	vadd.s32 $0x3000, v25;
	v16 =	vld.idx.msk [tilespmem:v16+s15+$0x0], $0xffff;
	[tilespmem:s24+$0xB0] =	vst v33  }
0x98: {  	v18 =	vld.idx.msk [tilespmem:v18+s15+$0x0], $0xffff;
	[tilespmem:s8+$0x30A0] =	vst v12;
	v12 =	vadd.s32 $0x6000, v24;
	v24 =	vadd.s32 v7, v31;
	v31 =	vadd.s32 v4, v27  }
0x99: {  	v36 =	vadd.s32 s30, v1;
	s29 =	simm.s32 $0x12880;
	[tilespmem:s8+$0x3000] =	vst v14;
	v38 =	vld.idx.msk [tilespmem:v28+s15+$0x0], $0xffff  }
0x9a: {  	v61 =	vadd.s32 v8, v30;
	[tilespmem:s29+$0x80] =	vst v17;
	v37 =	vld.idx.msk [tilespmem:v35+s15+$0x0], $0xffff  }
0x9b: {  	v15 =	vadd.s32 v11, v15;
	v17 =	vadd.s32 v5, v29;
	v62 =	vld.idx.msk [tilespmem:v21+s15+$0x0], $0xffff;
	[tilespmem:s29+$0x0] =	vst v19  }
0x9c: {  	v46 =	vadd.s32 s30, v2;
	v63 =	vadd.s32 v9, v30;
	v40 =	vadd.s32 v5, v27;
	[tilespmem:s24+$0x30] =	vst v26;
	v14 =	vld.idx.msk [tilespmem:v20+s15+$0x0], $0xffff  }
0x9d: {  	v39 =	vadd.s32 $0x6000, v25;
	v25 =	vadd.s32 v7, v27;
	v28 =	vadd.s32 v6, v27;
	[tilespmem:s22+$0xF0] =	vst v16;
	v45 =	vld.idx.msk [tilespmem:v31+s15+$0x0], $0xffff  }
0x9e: {  	v43 =	vadd.s32 s28, v2;
	v21 =	vadd.s32 v8, v39;
	v19 =	vadd.s32 v10, v39;
	v42 =	vld.idx.msk [tilespmem:v36+s15+$0x0], $0xffff;
	[tilespmem:s24+$0xC0] =	vst v38  }
0x9f: {  	v26 =	vmov s30;
	v34 =	vadd.s32 v8, v12;
	v23 =	vadd.s32 v9, v12;
	v41 =	vld.idx.msk [tilespmem:v61+s15+$0x0], $0xffff;
	[tilespmem:s22+$0x60] =	vst v18  }
0xa0: {  	v20 =	vadd.s32 v10, v12;
	v12 =	vadd.s32 v11, v12;
	v36 =	vld.idx.msk [tilespmem:v15+s15+$0x0], $0xffff;
	v15 =	vadd.s32 $0x6000, v26;
	[tilespmem:s29+$0x90] =	vst v62  }
0xa1: {  	v16 =	vadd.s32 v9, v39;
	v18 =	vadd.s32 v9, v15;
	v47 =	vld.idx.msk [tilespmem:v17+s15+$0x0], $0xffff;
	[tilespmem:s8+$0x30B0] =	vst v14  }
0xa2: {  	v17 =	vadd.s32 $0x3000, v26;
	v44 =	vld.idx.msk [tilespmem:v24+s15+$0x0], $0xffff;
	v24 =	vadd.s32 v8, v15;
	[tilespmem:s24+$0x40] =	vst v45;
	v45 =	vadd.s32 v6, v29  }
0xa3: {  	v14 =	vadd.s32 v11, v39;
	v33 =	vadd.s32 v4, v17;
	v43 =	vld.idx.msk [tilespmem:v43+s15+$0x0], $0xffff;
	[tilespmem:s29+$0x10] =	vst v42  }
0xa4: {  	v31 =	vadd.s32 v5, v17;
	v27 =	vadd.s32 v6, v17;
	v38 =	vld.idx.msk [tilespmem:v46+s15+$0x0], $0xffff;
	[tilespmem:s22+$0x3080] =	vst v41  }
0xa5: {  	v26 =	vadd.s32 v7, v17;
	v17 =	vadd.s32 v10, v15;
	v41 =	vadd.s32 s28, v3;
	v42 =	vld.idx.msk [tilespmem:v63+s15+$0x0], $0xffff  }
0xa6: {  	s2 =	simm.s32 $0x500;
	s25 =	simm.s32 $0x12880;
	v35 =	vadd.s32 s30, v3;
	s30 =	simm.s32 $0xC;
	v15 =	vadd.s32 v11, v15;
	[tilespmem:s24+$0xD0] =	vst v47;
	v39 =	vld.idx.msk [tilespmem:v40+s15+$0x0], $0xffff;
	v40 =	vadd.s32 v10, v30  }
.LBB2_3:
0xa7: {  	p0 =	slt.u32 s30, $0x5E;
	v46 =	vadd.s32 s2, v0;
	v47 =	vadd.s32 s2, v1;
	v48 =	vadd.s32 s2, v2;
	s12 =	sadd.s32 $0x80, s2;
	v45 =	vld.idx.msk [tilespmem:v45+s15+$0x0], $0xffff;
	[tilespmem:s8+$0x3010] =	vst v37  }
0xa8: {  	v37 =	vmov s2;
	v49 =	vadd.s32 s2, v3;
	v50 =	vadd.s32 s12, v0;
	[tilespmem:s22+$0x70] =	vst v44;
	v44 =	vld.idx.msk [tilespmem:v32+s15+$0x0], $0xffff;
	v32 =	vmovc v20;
	v20 =	vmovc v19  }
0xa9: {  	v19 =	vadd.s32 $0x3000, v37;
	v37 =	vadd.s32 $0x6000, v37;
	[tilespmem:s29+$0xA0] =	vst v43;
	v43 =	vadd.s32 v7, v29;
	v51 =	vld.idx.msk [tilespmem:v34+s15+$0x0], $0xffff;
	v34 =	vmovc v21  }
0xaa: {  	v54 =	vmov s28;
	s28 =	smov.u32 s12;
	v52 =	vadd.s32 v4, v19;
	v53 =	vadd.s32 v5, v19;
	v21 =	vmovc v24;
	v41 =	vld.idx.msk [tilespmem:v41+s15+$0x0], $0xffff;
	[tilespmem:s22+$0x3090] =	vst v42  }
0xab: {  	v55 =	vadd.s32 v7, v19;
	v29 =	vadd.s32 $0x3000, v54;
	v42 =	vadd.s32 v6, v19;
	[tilespmem:s29+$0x20] =	vst v38;
	v38 =	vld.idx.msk [tilespmem:v40+s15+$0x0], $0xffff  }
0xac: {  	v24 =	vadd.s32 v8, v37;
	v19 =	vmov v17;
	v40 =	vld.idx.msk [tilespmem:v46+s15+$0x0], $0xffff;
	v46 =	vadd.s32 v4, v29;
	[tilespmem:s24+$0x50] =	vst v39  }
0xad: {  	v39 =	vadd.s32 v9, v37;
	v50 =	vld.idx.msk [tilespmem:v50+s15+$0x0], $0xffff;
	[tilespmem:s24+$0xE0] =	vst v45;
	v45 =	vadd.s32 v11, v30  }
0xae: {  	v56 =	vadd.s32 v11, v37;
	v17 =	vadd.s32 v10, v37;
	v43 =	vld.idx.msk [tilespmem:v43+s15+$0x0], $0xffff;
	[tilespmem:s8+$0x3020] =	vst v44  }
0xaf: {  	v30 =	vadd.s32 $0x6000, v22;
	v22 =	vmovc v54;
	v44 =	vadd.s32 s28, v1;
	v57 =	vld.idx.msk [tilespmem:v35+s15+$0x0], $0xffff;
	[tilespmem:s22+$0x3000] =	vst v51;
	v35 =	vmov v49  }
0xb0: {  	v49 =	vadd.s32 v8, v30;
	[tilespmem:s29+$0xB0] =	vst v41;
	v41 =	vld.idx.msk [tilespmem:v28+s15+$0x0], $0xffff;
	v28 =	vmov v27;
	v27 =	vmov v42  }
0xb1: {  	v42 =	vld.idx.msk [tilespmem:v46+s15+$0x0], $0xffff;
	[tilespmem:s22+$0x30A0] =	vst v38  }
0xb2: {  	s29 =	sadd.s32 $0x100, s29;
	v38 =	vld.idx.msk [tilespmem:v45+s15+$0x0], $0xffff;
	[tilespmem:s23+$0x3030] =	vst v36;
	s23 =	smov.u32 s8;
	s8 =	smov.u32 s22  }
0xb3: {  	v36 =	vadd.s32 v5, v29;
	s22 =	smov.u32 s24;
	s24 =	smov.u32 s25;
	s25 =	smov.u32 s29;
	[tilespmem:s29+$0x80] =	vst v50;
	v37 =	vld.idx.msk [tilespmem:v23+s15+$0x0], $0xffff;
	v23 =	vmovc v16;
	v16 =	vmov v18;
	v18 =	vmov v39  }
0xb4: {  	v39 =	vld.idx.msk [tilespmem:v44+s15+$0x0], $0xffff;
	[tilespmem:s22+$0xF0] =	vst v43  }
0xb5: {  	[tilespmem:s29+$0x0] =	vst v40;
	v40 =	vld.idx.msk [tilespmem:v49+s15+$0x0], $0xffff  }
0xb6: {  	v43 =	vadd.s32 s28, v2;
	v46 =	vld.idx.msk [tilespmem:v47+s15+$0x0], $0xffff;
	[tilespmem:s24+$0x30] =	vst v57  }
0xb7: {  	v47 =	vld.idx.msk [tilespmem:v33+s15+$0x0], $0xffff;
	[tilespmem:s24+$0xC0] =	vst v42;
	v42 =	vadd.s32 v9, v30;
	v33 =	vmov v52  }
0xb8: {  	v49 =	vld.idx.msk [tilespmem:v36+s15+$0x0], $0xffff;
	[tilespmem:s8+$0x30B0] =	vst v38  }
0xb9: {  	[tilespmem:s22+$0x60] =	vst v41;
	v36 =	vld.idx.msk [tilespmem:v13+s15+$0x0], $0xffff;
	v13 =	vmovc v12;
	v12 =	vmov v14;
	v14 =	vmov v15;
	v15 =	vmov v56  }
.Ltmp0:
0xba: {  	v45 =	vadd.s32 v6, v29;
	[tilespmem:s29+$0x90] =	vst v39;
	v44 =	vld.idx.msk [tilespmem:v25+s15+$0x0], $0xffff;
	v25 =	vmov v26;
	v26 =	vmov v55;
	(pc) =	sbr.rel @p0 .LBB2_3-.Ltmp0, $4  }
0xbb: {  	v43 =	vld.idx.msk [tilespmem:v43+s15+$0x0], $0xffff;
	[tilespmem:s22+$0x3080] =	vst v40  }
0xbc: {  	[tilespmem:s29+$0x10] =	vst v46;
	v42 =	vld.idx.msk [tilespmem:v42+s15+$0x0], $0xffff  }
0xbd: {  	v41 =	vadd.s32 s28, v3;
	v38 =	vld.idx.msk [tilespmem:v48+s15+$0x0], $0xffff;
	[tilespmem:s24+$0x40] =	vst v47  }
0xbe: {  	s2 =	sshll.u32 s30, $0x7;
	s30 =	sadd.s32 $0x2, s30;
	v40 =	vadd.s32 v10, v30;
	v39 =	vld.idx.msk [tilespmem:v31+s15+$0x0], $0xffff;
	[tilespmem:s24+$0xD0] =	vst v49;
	v31 =	vmov v53  }
0xbf: {  	s12 =	sadd.s32 $0x80, s2;
	v47 =	vadd.s32 s2, v0  }
0xc0: {  	v46 =	vadd.s32 s12, v0;
	_ =	sdelay $0x3  }
0xc1: {  	v47 =	vld.idx.msk [tilespmem:v47+s15+$0x0], $0xffff  }
0xc2: {  	v49 =	vadd.s32 s2, v1;
	v46 =	vld.idx.msk [tilespmem:v46+s15+$0x0], $0xffff  }
0xc3: {  	v48 =	vadd.s32 s12, v1  }
0xc4: {  	[tilespmem:s8+$0x3010] =	vst v37  }
0xc5: {  	s30 =	sadd.s32 $0x100, s29;
	[tilespmem:s22+$0x70] =	vst v44  }
0xc6: {  	[tilespmem:s30+$0x0] =	vst v47  }
0xc7: {  	[tilespmem:s30+$0x80] =	vst v46;
	v58 =	vld.idx.msk [tilespmem:v49+s15+$0x0], $0xffff  }
0xc8: {  	v59 =	vadd.s32 s2, v2;
	[tilespmem:s23+$0x3030] =	vst v36;
	v56 =	vld.idx.msk [tilespmem:v48+s15+$0x0], $0xffff  }
0xc9: {  	v57 =	vadd.s32 s12, v2;
	[tilespmem:s29+$0xA0] =	vst v43  }
0xca: {  	v60 =	vld.idx.msk [tilespmem:v45+s15+$0x0], $0xffff;
	[tilespmem:s22+$0x3090] =	vst v42  }
0xcb: {  	v32 =	vld.idx.msk [tilespmem:v32+s15+$0x0], $0xffff;
	[tilespmem:s29+$0x20] =	vst v38  }
0xcc: {  	v34 =	vld.idx.msk [tilespmem:v34+s15+$0x0], $0xffff;
	[tilespmem:s30+$0x10] =	vst v58  }
0xcd: {  	v29 =	vadd.s32 v7, v29;
	[tilespmem:s30+$0x90] =	vst v56;
	v62 =	vld.idx.msk [tilespmem:v59+s15+$0x0], $0xffff  }
0xce: {  	v63 =	vadd.s32 s2, v3;
	[tilespmem:s24+$0x50] =	vst v39;
	v37 =	vld.idx.msk [tilespmem:v57+s15+$0x0], $0xffff  }
0xcf: {  	v61 =	vadd.s32 s12, v3;
	v41 =	vld.idx.msk [tilespmem:v41+s15+$0x0], $0xffff;
	[tilespmem:s24+$0xE0] =	vst v60  }
0xd0: {  	v42 =	vmov s28;
	v35 =	vld.idx.msk [tilespmem:v35+s15+$0x0], $0xffff;
	[tilespmem:s8+$0x3020] =	vst v32  }
0xd1: {  	v43 =	vadd.s32 $0x3000, v42;
	v40 =	vld.idx.msk [tilespmem:v40+s15+$0x0], $0xffff;
	[tilespmem:s22+$0x3000] =	vst v34  }
0xd2: {  	v52 =	vmov s2;
	v29 =	vld.idx.msk [tilespmem:v29+s15+$0x0], $0xffff;
	v48 =	vadd.s32 v4, v43;
	[tilespmem:s30+$0x20] =	vst v62  }
0xd3: {  	v30 =	vadd.s32 v11, v30;
	v54 =	vadd.s32 $0x3000, v52;
	v49 =	vmov s12;
	[tilespmem:s30+$0xA0] =	vst v37;
	v55 =	vld.idx.msk [tilespmem:v63+s15+$0x0], $0xffff  }
0xd4: {  	[tilespmem:s29+$0xB0] =	vst v41;
	v51 =	vadd.s32 $0x3000, v49;
	v56 =	vadd.s32 v4, v54;
	v50 =	vld.idx.msk [tilespmem:v61+s15+$0x0], $0xffff  }
0xd5: {  	v28 =	vld.idx.msk [tilespmem:v28+s15+$0x0], $0xffff;
	[tilespmem:s25+$0x30] =	vst v35;
	v53 =	vadd.s32 v4, v51  }
0xd6: {  	[tilespmem:s22+$0x30A0] =	vst v40;
	v33 =	vld.idx.msk [tilespmem:v33+s15+$0x0], $0xffff  }
0xd7: {  	[tilespmem:s24+$0xF0] =	vst v29;
	v32 =	vld.idx.msk [tilespmem:v48+s15+$0x0], $0xffff  }
0xd8: {  	v22 =	vadd.s32 $0x6000, v22;
	v30 =	vld.idx.msk [tilespmem:v30+s15+$0x0], $0xffff;
	v57 =	vadd.s32 v5, v43;
	[tilespmem:s30+$0x30] =	vst v55  }
0xd9: {  	v58 =	vadd.s32 v8, v22;
	[tilespmem:s30+$0xB0] =	vst v50;
	v29 =	vld.idx.msk [tilespmem:v56+s15+$0x0], $0xffff  }
0xda: {  	[tilespmem:s24+$0x60] =	vst v28;
	v61 =	vadd.s32 v5, v54;
	v59 =	vld.idx.msk [tilespmem:v53+s15+$0x0], $0xffff  }
0xdb: {  	v23 =	vld.idx.msk [tilespmem:v23+s15+$0x0], $0xffff;
	v60 =	vadd.s32 v5, v51;
	[tilespmem:s25+$0x40] =	vst v33  }
0xdc: {  	v31 =	vld.idx.msk [tilespmem:v31+s15+$0x0], $0xffff;
	[tilespmem:s25+$0xC0] =	vst v32  }
0xdd: {  	[tilespmem:s22+$0x30B0] =	vst v30;
	v32 =	vld.idx.msk [tilespmem:v57+s15+$0x0], $0xffff  }
0xde: {  	v30 =	vld.idx.msk [tilespmem:v58+s15+$0x0], $0xffff;
	v62 =	vadd.s32 v6, v43;
	[tilespmem:s30+$0x40] =	vst v29  }
0xdf: {  	[tilespmem:s30+$0xC0] =	vst v59;
	v28 =	vld.idx.msk [tilespmem:v61+s15+$0x0], $0xffff  }
0xe0: {  	[tilespmem:s22+$0x3010] =	vst v23;
	v29 =	vadd.s32 v6, v54;
	v63 =	vld.idx.msk [tilespmem:v60+s15+$0x0], $0xffff  }
0xe1: {  	v25 =	vld.idx.msk [tilespmem:v25+s15+$0x0], $0xffff;
	v36 =	vadd.s32 v6, v51;
	[tilespmem:s25+$0x50] =	vst v31  }
0xe2: {  	v39 =	vadd.s32 v9, v22;
	v27 =	vld.idx.msk [tilespmem:v27+s15+$0x0], $0xffff;
	[tilespmem:s25+$0xD0] =	vst v32  }
0xe3: {  	[tilespmem:s24+$0x3080] =	vst v30;
	v30 =	vld.idx.msk [tilespmem:v62+s15+$0x0], $0xffff  }
0xe4: {  	v40 =	vadd.s32 v7, v43;
	v20 =	vld.idx.msk [tilespmem:v20+s15+$0x0], $0xffff;
	[tilespmem:s30+$0x50] =	vst v28  }
0xe5: {  	[tilespmem:s30+$0xD0] =	vst v63;
	v23 =	vld.idx.msk [tilespmem:v29+s15+$0x0], $0xffff  }
0xe6: {  	[tilespmem:s24+$0x70] =	vst v25;
	v28 =	vadd.s32 v7, v54;
	v31 =	vld.idx.msk [tilespmem:v36+s15+$0x0], $0xffff  }
0xe7: {  	v41 =	vadd.s32 v7, v51;
	[tilespmem:s25+$0x60] =	vst v27;
	v29 =	vld.idx.msk [tilespmem:v39+s15+$0x0], $0xffff  }
0xe8: {  	v26 =	vld.idx.msk [tilespmem:v26+s15+$0x0], $0xffff;
	[tilespmem:s25+$0xE0] =	vst v30  }
0xe9: {  	[tilespmem:s22+$0x3020] =	vst v20;
	v30 =	vadd.s32 $0x6000, v42;
	v25 =	vld.idx.msk [tilespmem:v40+s15+$0x0], $0xffff  }
0xea: {  	v21 =	vld.idx.msk [tilespmem:v21+s15+$0x0], $0xffff;
	v43 =	vadd.s32 v8, v30;
	[tilespmem:s30+$0x60] =	vst v23  }
0xeb: {  	v23 =	vadd.s32 $0x6000, v52;
	[tilespmem:s30+$0xE0] =	vst v31;
	v31 =	vadd.s32 v10, v22;
	v28 =	vld.idx.msk [tilespmem:v28+s15+$0x0], $0xffff  }
0xec: {  	v44 =	vadd.s32 $0x6000, v49;
	[tilespmem:s24+$0x3090] =	vst v29;
	v29 =	vadd.s32 v8, v23;
	v27 =	vld.idx.msk [tilespmem:v41+s15+$0x0], $0xffff  }
0xed: {  	v13 =	vld.idx.msk [tilespmem:v13+s15+$0x0], $0xffff;
	v46 =	vadd.s32 v8, v44;
	[tilespmem:s25+$0x70] =	vst v26  }
0xee: {  	v24 =	vld.idx.msk [tilespmem:v24+s15+$0x0], $0xffff;
	[tilespmem:s25+$0xF0] =	vst v25  }
0xef: {  	[tilespmem:s24+$0x3000] =	vst v21;
	v20 =	vld.idx.msk [tilespmem:v43+s15+$0x0], $0xffff  }
0xf0: {  	v25 =	vld.idx.msk [tilespmem:v31+s15+$0x0], $0xffff;
	[tilespmem:s30+$0x70] =	vst v28  }
0xf1: {  	v31 =	vadd.s32 v9, v30;
	[tilespmem:s30+$0xF0] =	vst v27;
	v21 =	vld.idx.msk [tilespmem:v29+s15+$0x0], $0xffff  }
0xf2: {  	[tilespmem:s8+$0x3030] =	vst v13;
	v28 =	vadd.s32 v9, v23;
	v26 =	vld.idx.msk [tilespmem:v46+s15+$0x0], $0xffff  }
0xf3: {  	v12 =	vld.idx.msk [tilespmem:v12+s15+$0x0], $0xffff;
	[tilespmem:s25+$0x3000] =	vst v24;
	v27 =	vadd.s32 v9, v44  }
0xf4: {  	v16 =	vld.idx.msk [tilespmem:v16+s15+$0x0], $0xffff;
	[tilespmem:s25+$0x3080] =	vst v20;
	v20 =	vadd.s32 v11, v22  }
0xf5: {  	v18 =	vld.idx.msk [tilespmem:v18+s15+$0x0], $0xffff;
	[tilespmem:s24+$0x30A0] =	vst v25  }
0xf6: {  	v22 =	vld.idx.msk [tilespmem:v31+s15+$0x0], $0xffff;
	[tilespmem:s30+$0x3000] =	vst v21  }
0xf7: {  	v25 =	vadd.s32 v10, v30;
	[tilespmem:s30+$0x3080] =	vst v26;
	v13 =	vld.idx.msk [tilespmem:v28+s15+$0x0], $0xffff  }
0xf8: {  	[tilespmem:s22+$0x3030] =	vst v12;
	v21 =	vadd.s32 v10, v23;
	v24 =	vld.idx.msk [tilespmem:v27+s15+$0x0], $0xffff  }
0xf9: {  	[tilespmem:s24+$0x3010] =	vst v16;
	v20 =	vld.idx.msk [tilespmem:v20+s15+$0x0], $0xffff;
	v26 =	vadd.s32 v10, v44  }
0xfa: {  	v19 =	vld.idx.msk [tilespmem:v19+s15+$0x0], $0xffff;
	[tilespmem:s25+$0x3010] =	vst v18  }
0xfb: {  	v17 =	vld.idx.msk [tilespmem:v17+s15+$0x0], $0xffff;
	[tilespmem:s25+$0x3090] =	vst v22  }
0xfc: {  	v16 =	vld.idx.msk [tilespmem:v25+s15+$0x0], $0xffff;
	[tilespmem:s30+$0x3010] =	vst v13  }
0xfd: {  	v22 =	vadd.s32 v11, v30;
	[tilespmem:s30+$0x3090] =	vst v24;
	v13 =	vld.idx.msk [tilespmem:v21+s15+$0x0], $0xffff  }
0xfe: {  	[tilespmem:s24+$0x30B0] =	vst v20;
	v20 =	vadd.s32 v11, v23;
	v18 =	vld.idx.msk [tilespmem:v26+s15+$0x0], $0xffff  }
0xff: {  	[tilespmem:s24+$0x3020] =	vst v19;
	v24 =	vadd.s32 v11, v44  }
0x100: {  	v14 =	vld.idx.msk [tilespmem:v14+s15+$0x0], $0xffff;
	[tilespmem:s25+$0x3020] =	vst v17  }
0x101: {  	v15 =	vld.idx.msk [tilespmem:v15+s15+$0x0], $0xffff;
	[tilespmem:s25+$0x30A0] =	vst v16  }
0x102: {  	v16 =	vld.idx.msk [tilespmem:v22+s15+$0x0], $0xffff;
	[tilespmem:s30+$0x3020] =	vst v13  }
0x103: {  	[tilespmem:s30+$0x30A0] =	vst v18;
	v12 =	vld.idx.msk [tilespmem:v20+s15+$0x0], $0xffff  }
0x104: {  	v17 =	vld.idx.msk [tilespmem:v24+s15+$0x0], $0xffff  }
0x105: {  	[tilespmem:s24+$0x3030] =	vst v14  }
0x106: {  	[tilespmem:s25+$0x3030] =	vst v15  }
0x107: {  	[tilespmem:s25+$0x30B0] =	vst v16  }
0x108: {  	[tilespmem:s30+$0x3030] =	vst v12  }
0x109: {  	s22 =	simm.s32 $0x12480;
	[tilespmem:s30+$0x30B0] =	vst v17  }
0x10a: {  	[hbm4b:s3+s14] =	stream.indirect.scatter [tilespmem:s22], [sflag:$0x3], $0x80, s26, s14, $0xb8;
	[tilespmem:$0x1E480] =	vst v63  }
0x10b: {  	s23 =	simm.s32 $0x2A0;
	s24 =	simm.s32 $0x15480  }
0x10c: {  	[hbm4b:s3+s14] =	stream.indirect.scatter [tilespmem:s24], [sflag:$0x3], $0x80, s23, s14, $0xb8;
	[tilespmem:$0x1E480] =	vst v63  }
0x10d: {  	_ =	swait.ge [sflag:s31], $0x3000  }
0x10e: {  	[sflag:s31] =	ssyncset.done $0x0  }
0x10f: {  	[sflag:s31] =	ssyncadd.s32 $0xFFFFD000  }
0x110: {  	_ =	swait.ge [sflag:s31], $0x3000  }
0x111: {  	p0 =	seq.s32 s9, $0x17;
	[sflag:s31] =	ssyncset.done $0x0  }
0x112: {  	s2 =	sadd.s32 @!p0 s17, s10;
	[sflag:s31] =	ssyncadd.s32 $0xFFFFD000  }
0x113: {  	s2 =	smul.u32 @!p0 $0x24, s2;
	_ =	swait.ge [sflag:s31], $0x3000  }
0x114: {  	[sflag:s31] =	ssyncset.done $0x0  }
0x115: {  	s2 =	sadd.s32 @!p0 s6, s2;
	s8 =	simm.s32 @!p0 $0x0;
	[sflag:s31] =	ssyncadd.s32 $0xFFFFD000  }
0x116: {  	[tilespmem:s8], [sflag:$0x5] =	stream.linear.gather @!p0 [hbm4b:s2+s8], $0x120, $0x38;
	[tilespmem:$0x1E480] =	vst v63  }
0x117: {  	s2 =	simm.s32 @!p0 $0x5  }
0x118: {  	_ =	swait.ge @!p0 [sflag:s2], $0x120  }
0x119: {  	[sflag:s2] =	ssyncset.done @!p0 $0x0  }
0x11a: {  	s12 =	simm.s32 @!p0 $0x480;
	[sflag:s2] =	ssyncadd.s32 @!p0 $0xFFFFFEE0;
	s2 =	simm.s32 @!p0 $0x60  }
0x11b: {  	[tilespmem:s12], [sflag:$0x1] =	stream.indirect.gather @!p0 [hbm4b:s1+s2], $0x80, s8, s2, $0xb8;
	[tilespmem:$0x1E480] =	vst v63  }
0x11c: {  	s8 =	simm.s32 @!p0 $0x3480  }
0x11d: {  	[tilespmem:s8], [sflag:$0x1] =	stream.indirect.gather @!p0 [hbm4b:s1+s2], $0x80, s2, s2, $0xb8;
	[tilespmem:$0x1E480] =	vst v63  }
0x11e: {  	p1 =	seq.s32 @!p0 s9, $0x0;
	s12 =	simm.s32 @!p0 $0x6480;
	s8 =	simm.s32 @!p0 $0xC0  }
0x11f: {  	[tilespmem:s12], [sflag:$0x1] =	stream.indirect.gather @!p0 [hbm4b:s1+s2], $0x80, s8, s2, $0xb8;
	[tilespmem:$0x1E480] =	vst v63  }
0x120: {  	p0 =	por p0, !p1  }
0x121: {  	_ =	swait.ge @p0 [sflag:s18], $0x3000  }
0x122: {  	[sflag:s18] =	ssyncset.done @p0 $0x0  }
0x123: {  	[sflag:s18] =	ssyncadd.s32 @p0 $0xFFFFD000  }
0x124: {  	s25 =	smul.u32 $0x18, s11;
	_ =	swait.ge @p0 [sflag:s18], $0x3000  }
0x125: {  	s29 =	simm.s32 $0x80;
	[sflag:s18] =	ssyncset.done @p0 $0x0  }
0x126: {  	v12 =	vadd.s32 s29, v0;
	s30 =	simm.s32 $0x0;
	s2 =	sadd.s32 s7, s25;
	[sflag:s18] =	ssyncadd.s32 @p0 $0xFFFFD000  }
0x127: {  	[tilespmem:s0], [sflag:$0x5] =	stream.linear.gather [hbm4b:s2+s30], $0xC0, $0x38;
	[tilespmem:$0x1E480] =	vst v63  }
0x128: {  	_ =	swait.ge [sflag:s13], $0xC0  }
0x129: {  	[sflag:s13] =	ssyncset.done $0x0  }
0x12a: {  	[sflag:s13] =	ssyncadd.s32 $0xFFFFFF40  }
0x12b: {  	v12 =	vld.idx.msk [tilespmem:v12+s21+$0x0], $0xffff  }
0x12c: {  	v13 =	vadd.s32 s29, v1;
	_ =	sdelay $0x2  }
0x12d: {  	s17 =	simm.s32 $0x18480;
	s11 =	simm.s32 $0x0  }
0x12e: {  	v14 =	vadd.s32 s11, v0;
	[tilespmem:s17+$0x80] =	vst v12  }
0x12f: {  	v12 =	vld.idx.msk [tilespmem:v13+s21+$0x0], $0xffff  }
0x130: {  	v13 =	vadd.s32 s29, v2;
	_ =	sdelay $0x2  }
0x131: {  	v14 =	vld.idx.msk [tilespmem:v14+s21+$0x0], $0xffff  }
0x132: {  	v15 =	vadd.s32 s11, v1;
	[tilespmem:s17+$0x90] =	vst v12  }
0x133: {  	v12 =	vld.idx.msk [tilespmem:v13+s21+$0x0], $0xffff  }
0x134: {  	v13 =	vadd.s32 s29, v3;
	_ =	sdelay $0x1  }
0x135: {  	s12 =	simm.s32 $0x180;
	[tilespmem:s17+$0x0] =	vst v14  }
0x136: {  	v14 =	vld.idx.msk [tilespmem:v15+s21+$0x0], $0xffff;
	v15 =	vadd.s32 s12, v0  }
0x137: {  	v16 =	vadd.s32 s11, v2;
	[tilespmem:s17+$0xA0] =	vst v12;
	v12 =	vmov s29  }
0x138: {  	v13 =	vld.idx.msk [tilespmem:v13+s21+$0x0], $0xffff;
	v17 =	vadd.s32 $0x3000, v12  }
0x139: {  	v18 =	vadd.s32 v4, v17  }
0x13a: {  	s22 =	simm.s32 $0x100  }
0x13b: {  	[tilespmem:s17+$0x10] =	vst v14;
	v14 =	vadd.s32 s22, v0;
	v15 =	vld.idx.msk [tilespmem:v15+s21+$0x0], $0xffff  }
0x13c: {  	v19 =	vadd.s32 s12, v1;
	v16 =	vld.idx.msk [tilespmem:v16+s21+$0x0], $0xffff  }
0x13d: {  	v20 =	vadd.s32 s11, v3;
	[tilespmem:s17+$0xB0] =	vst v13  }
0x13e: {  	v13 =	vld.idx.msk [tilespmem:v18+s21+$0x0], $0xffff  }
0x13f: {  	s8 =	simm.s32 $0x18580;
	v18 =	vadd.s32 v5, v17  }
0x140: {  	v14 =	vld.idx.msk [tilespmem:v14+s21+$0x0], $0xffff;
	[tilespmem:s8+$0x80] =	vst v15  }
0x141: {  	v21 =	vadd.s32 s22, v1;
	v15 =	vmov s11;
	[tilespmem:s17+$0x20] =	vst v16;
	v16 =	vld.idx.msk [tilespmem:v19+s21+$0x0], $0xffff  }
0x142: {  	v22 =	vadd.s32 s12, v2;
	v19 =	vadd.s32 $0x3000, v15;
	v20 =	vld.idx.msk [tilespmem:v20+s21+$0x0], $0xffff  }
0x143: {  	v23 =	vadd.s32 v4, v19;
	[tilespmem:s17+$0xC0] =	vst v13  }
0x144: {  	v13 =	vld.idx.msk [tilespmem:v18+s21+$0x0], $0xffff  }
0x145: {  	[tilespmem:s8+$0x0] =	vst v14;
	v14 =	vadd.s32 v6, v17  }
0x146: {  	[tilespmem:s8+$0x90] =	vst v16;
	v18 =	vld.idx.msk [tilespmem:v21+s21+$0x0], $0xffff  }
0x147: {  	v16 =	vadd.s32 s22, v2;
	[tilespmem:s17+$0x30] =	vst v20;
	v20 =	vld.idx.msk [tilespmem:v22+s21+$0x0], $0xffff  }
0x148: {  	v22 =	vadd.s32 s12, v3;
	v21 =	vld.idx.msk [tilespmem:v23+s21+$0x0], $0xffff  }
0x149: {  	s23 =	simm.s32 $0x280;
	v23 =	vadd.s32 v5, v19;
	[tilespmem:s17+$0xD0] =	vst v13  }
0x14a: {  	v13 =	vld.idx.msk [tilespmem:v14+s21+$0x0], $0xffff;
	v14 =	vadd.s32 s23, v0  }
0x14b: {  	s25 =	simm.s32 $0x200;
	v17 =	vadd.s32 v7, v17;
	[tilespmem:s8+$0x10] =	vst v18  }
0x14c: {  	[tilespmem:s8+$0xA0] =	vst v20;
	v20 =	vmov s12;
	v18 =	vadd.s32 s25, v0;
	v16 =	vld.idx.msk [tilespmem:v16+s21+$0x0], $0xffff  }
0x14d: {  	v24 =	vadd.s32 s22, v3;
	[tilespmem:s17+$0x40] =	vst v21;
	v21 =	vld.idx.msk [tilespmem:v22+s21+$0x0], $0xffff;
	v22 =	vadd.s32 $0x3000, v20  }
0x14e: {  	v23 =	vld.idx.msk [tilespmem:v23+s21+$0x0], $0xffff;
	v25 =	vadd.s32 v4, v22  }
0x14f: {  	v26 =	vadd.s32 v6, v19;
	v14 =	vld.idx.msk [tilespmem:v14+s21+$0x0], $0xffff;
	[tilespmem:s17+$0xE0] =	vst v13  }
0x150: {  	v12 =	vadd.s32 $0x6000, v12;
	v13 =	vld.idx.msk [tilespmem:v17+s21+$0x0], $0xffff;
	v17 =	vadd.s32 s23, v1  }
0x151: {  	v27 =	vmov s22;
	[tilespmem:s8+$0x20] =	vst v16;
	v16 =	vld.idx.msk [tilespmem:v18+s21+$0x0], $0xffff;
	v18 =	vadd.s32 v8, v12  }
0x152: {  	v28 =	vadd.s32 $0x3000, v27;
	v29 =	vadd.s32 s25, v1;
	[tilespmem:s8+$0xB0] =	vst v21;
	v24 =	vld.idx.msk [tilespmem:v24+s21+$0x0], $0xffff  }
0x153: {  	s11 =	simm.s32 $0x18680;
	v21 =	vadd.s32 v4, v28;
	[tilespmem:s17+$0x50] =	vst v23;
	v23 =	vld.idx.msk [tilespmem:v25+s21+$0x0], $0xffff  }
0x154: {  	v25 =	vld.idx.msk [tilespmem:v26+s21+$0x0], $0xffff;
	[tilespmem:s11+$0x80] =	vst v14;
	v14 =	vadd.s32 v5, v22  }
0x155: {  	v19 =	vadd.s32 v7, v19;
	v17 =	vld.idx.msk [tilespmem:v17+s21+$0x0], $0xffff;
	[tilespmem:s17+$0xF0] =	vst v13  }
0x156: {  	[tilespmem:s11+$0x0] =	vst v16;
	v16 =	vadd.s32 s23, v2;
	v13 =	vld.idx.msk [tilespmem:v18+s21+$0x0], $0xffff  }
0x157: {  	[tilespmem:s8+$0x30] =	vst v24;
	v24 =	vadd.s32 v9, v12;
	v18 =	vld.idx.msk [tilespmem:v29+s21+$0x0], $0xffff  }
0x158: {  	v26 =	vadd.s32 s25, v2;
	[tilespmem:s8+$0xC0] =	vst v23;
	v21 =	vld.idx.msk [tilespmem:v21+s21+$0x0], $0xffff  }
0x159: {  	v23 =	vadd.s32 v5, v28;
	[tilespmem:s17+$0x60] =	vst v25;
	v14 =	vld.idx.msk [tilespmem:v14+s21+$0x0], $0xffff  }
0x15a: {  	v15 =	vadd.s32 $0x6000, v15;
	v19 =	vld.idx.msk [tilespmem:v19+s21+$0x0], $0xffff;
	[tilespmem:s11+$0x90] =	vst v17;
	v17 =	vadd.s32 v6, v22  }
0x15b: {  	v25 =	vadd.s32 v8, v15;
	v16 =	vld.idx.msk [tilespmem:v16+s21+$0x0], $0xffff;
	[tilespmem:s17+$0x3080] =	vst v13  }
0x15c: {  	s30 =	simm.s32 $0x380;
	[tilespmem:s11+$0x10] =	vst v18;
	v18 =	vadd.s32 s23, v3;
	v13 =	vld.idx.msk [tilespmem:v24+s21+$0x0], $0xffff  }
0x15d: {  	[tilespmem:s8+$0x40] =	vst v21;
	v24 =	vld.idx.msk [tilespmem:v26+s21+$0x0], $0xffff;
	v26 =	vadd.s32 s30, v0  }
0x15e: {  	s29 =	simm.s32 $0x300;
	v21 =	vadd.s32 v10, v12;
	v23 =	vld.idx.msk [tilespmem:v23+s21+$0x0], $0xffff;
	[tilespmem:s8+$0xD0] =	vst v14  }
0x15f: {  	[tilespmem:s17+$0x70] =	vst v19;
	v14 =	vadd.s32 s29, v0;
	v17 =	vld.idx.msk [tilespmem:v17+s21+$0x0], $0xffff  }
0x160: {  	v19 =	vld.idx.msk [tilespmem:v25+s21+$0x0], $0xffff;
	[tilespmem:s11+$0xA0] =	vst v16;
	v16 =	vadd.s32 v7, v22  }
0x161: {  	v25 =	vmov s23;
	v22 =	vadd.s32 s25, v3;
	v18 =	vld.idx.msk [tilespmem:v18+s21+$0x0], $0xffff  }
0x162: {  	v29 =	vadd.s32 $0x3000, v25;
	[tilespmem:s17+$0x3090] =	vst v13;
	v13 =	vadd.s32 v6, v28;
	v26 =	vld.idx.msk [tilespmem:v26+s21+$0x0], $0xffff  }
0x163: {  	v30 =	vadd.s32 v4, v29;
	[tilespmem:s8+$0x50] =	vst v23;
	v21 =	vld.idx.msk [tilespmem:v21+s21+$0x0], $0xffff  }
0x164: {  	v23 =	vadd.s32 s30, v1;
	v14 =	vld.idx.msk [tilespmem:v14+s21+$0x0], $0xffff;
	[tilespmem:s8+$0xE0] =	vst v17  }
0x165: {  	v12 =	vadd.s32 v11, v12;
	[tilespmem:s11+$0x20] =	vst v24;
	v16 =	vld.idx.msk [tilespmem:v16+s21+$0x0], $0xffff  }
0x166: {  	v20 =	vadd.s32 $0x6000, v20;
	[tilespmem:s17+$0x3000] =	vst v19;
	v17 =	vadd.s32 v9, v15;
	v22 =	vld.idx.msk [tilespmem:v22+s21+$0x0], $0xffff  }
0x167: {  	s22 =	simm.s32 $0x18780;
	v24 =	vmov s25;
	[tilespmem:s11+$0xB0] =	vst v18;
	v13 =	vld.idx.msk [tilespmem:v13+s21+$0x0], $0xffff;
	v18 =	vadd.s32 v8, v20  }
0x168: {  	v47 =	vadd.s32 s29, v1;
	v31 =	vadd.s32 $0x3000, v24;
	[tilespmem:s22+$0x80] =	vst v26;
	v30 =	vld.idx.msk [tilespmem:v30+s21+$0x0], $0xffff  }
0x169: {  	[tilespmem:s17+$0x30A0] =	vst v21;
	v21 =	vadd.s32 v4, v31;
	v23 =	vld.idx.msk [tilespmem:v23+s21+$0x0], $0xffff  }
0x16a: {  	v26 =	vadd.s32 v7, v28;
	v12 =	vld.idx.msk [tilespmem:v12+s21+$0x0], $0xffff;
	[tilespmem:s22+$0x0] =	vst v14  }
0x16b: {  	v19 =	vadd.s32 v5, v29;
	v17 =	vld.idx.msk [tilespmem:v17+s21+$0x0], $0xffff;
	[tilespmem:s8+$0xF0] =	vst v16  }
0x16c: {  	v16 =	vadd.s32 s30, v2;
	[tilespmem:s11+$0x30] =	vst v22;
	v14 =	vld.idx.msk [tilespmem:v18+s21+$0x0], $0xffff  }
0x16d: {  	v22 =	vadd.s32 v9, v20;
	v18 =	vld.idx.msk [tilespmem:v47+s21+$0x0], $0xffff;
	[tilespmem:s8+$0x60] =	vst v13  }
0x16e: {  	v28 =	vadd.s32 s29, v2;
	v21 =	vld.idx.msk [tilespmem:v21+s21+$0x0], $0xffff;
	[tilespmem:s11+$0xC0] =	vst v30  }
0x16f: {  	[tilespmem:s22+$0x90] =	vst v23;
	v23 =	vld.idx.msk [tilespmem:v26+s21+$0x0], $0xffff;
	v26 =	vadd.s32 v10, v15  }
0x170: {  	v30 =	vadd.s32 v5, v31;
	v19 =	vld.idx.msk [tilespmem:v19+s21+$0x0], $0xffff;
	[tilespmem:s17+$0x3010] =	vst v17  }
0x171: {  	s24 =	simm.s32 $0x480;
	v13 =	vadd.s32 v6, v29;
	v16 =	vld.idx.msk [tilespmem:v16+s21+$0x0], $0xffff;
	[tilespmem:s8+$0x3080] =	vst v14  }
0x172: {  	v27 =	vadd.s32 $0x6000, v27;
	v17 =	vadd.s32 s24, v0;
	[tilespmem:s22+$0x10] =	vst v18;
	v18 =	vld.idx.msk [tilespmem:v22+s21+$0x0], $0xffff  }
0x173: {  	v14 =	vadd.s32 v8, v27;
	v28 =	vld.idx.msk [tilespmem:v28+s21+$0x0], $0xffff;
	[tilespmem:s11+$0x40] =	vst v21  }
0x174: {  	v48 =	vadd.s32 s30, v3;
	[tilespmem:s8+$0x70] =	vst v23;
	v23 =	vld.idx.msk [tilespmem:v26+s21+$0x0], $0xffff  }
0x175: {  	s28 =	simm.s32 $0x400;
	v21 =	vld.idx.msk [tilespmem:v30+s21+$0x0], $0xffff;
	[tilespmem:s11+$0xD0] =	vst v19;
	v19 =	vadd.s32 v10, v20  }
0x176: {  	v30 =	vadd.s32 s28, v0;
	v13 =	vld.idx.msk [tilespmem:v13+s21+$0x0], $0xffff  }
0x177: {  	[tilespmem:s17+$0x30B0] =	vst v12;
	v26 =	vadd.s32 s29, v3;
	v17 =	vld.idx.msk [tilespmem:v17+s21+$0x0], $0xffff  }
0x178: {  	v15 =	vadd.s32 v11, v15;
	[tilespmem:s22+$0xA0] =	vst v16;
	v14 =	vld.idx.msk [tilespmem:v14+s21+$0x0], $0xffff  }
0x179: {  	v22 =	vmov s30;
	v16 =	vadd.s32 v7, v29;
	v49 =	vld.idx.msk [tilespmem:v48+s21+$0x0], $0xffff;
	[tilespmem:s8+$0x3090] =	vst v18  }
0x17a: {  	v29 =	vadd.s32 $0x3000, v22;
	v18 =	vadd.s32 v6, v31;
	[tilespmem:s22+$0x20] =	vst v28;
	v12 =	vld.idx.msk [tilespmem:v19+s21+$0x0], $0xffff  }
0x17b: {  	v28 =	vadd.s32 v4, v29;
	[tilespmem:s17+$0x3020] =	vst v23;
	v19 =	vld.idx.msk [tilespmem:v30+s21+$0x0], $0xffff  }
0x17c: {  	v50 =	vadd.s32 v9, v27;
	[tilespmem:s11+$0x50] =	vst v21;
	v26 =	vld.idx.msk [tilespmem:v26+s21+$0x0], $0xffff  }
0x17d: {  	s25 =	simm.s32 $0x18880;
	v21 =	vadd.s32 s24, v1;
	v36 =	vld.idx.msk [tilespmem:v15+s21+$0x0], $0xffff;
	[tilespmem:s11+$0xE0] =	vst v13  }
0x17e: {  	v52 =	vadd.s32 s28, v1;
	v32 =	vadd.s32 v10, v27;
	v20 =	vadd.s32 v11, v20;
	[tilespmem:s25+$0x80] =	vst v17;
	v16 =	vld.idx.msk [tilespmem:v16+s21+$0x0], $0xffff  }
0x17f: {  	v45 =	vadd.s32 v6, v29;
	v30 =	vadd.s32 $0x6000, v25;
	v25 =	vmov s29;
	[tilespmem:s22+$0xB0] =	vst v49;
	v18 =	vld.idx.msk [tilespmem:v18+s21+$0x0], $0xffff  }
0x180: {  	v51 =	vadd.s32 v8, v30;
	v13 =	vadd.s32 v11, v27;
	v27 =	vadd.s32 $0x3000, v25;
	[tilespmem:s8+$0x3000] =	vst v14;
	v53 =	vld.idx.msk [tilespmem:v28+s21+$0x0], $0xffff  }
0x181: {  	v37 =	vld.idx.msk [tilespmem:v50+s21+$0x0], $0xffff;
	[tilespmem:s8+$0x30A0] =	vst v12;
	v12 =	vadd.s32 $0x6000, v24;
	v24 =	vadd.s32 v7, v31;
	v31 =	vadd.s32 v4, v27  }
0x182: {  	v17 =	vadd.s32 v5, v29;
	v61 =	vadd.s32 v9, v30;
	v54 =	vld.idx.msk [tilespmem:v21+s21+$0x0], $0xffff;
	[tilespmem:s25+$0x0] =	vst v19  }
0x183: {  	v59 =	vadd.s32 s24, v2;
	v40 =	vadd.s32 v10, v30;
	v56 =	vadd.s32 v5, v27;
	[tilespmem:s22+$0x30] =	vst v26;
	v14 =	vld.idx.msk [tilespmem:v20+s21+$0x0], $0xffff  }
0x184: {  	v55 =	vadd.s32 $0x6000, v25;
	v25 =	vadd.s32 v7, v27;
	v28 =	vadd.s32 v6, v27;
	v58 =	vld.idx.msk [tilespmem:v52+s21+$0x0], $0xffff;
	[tilespmem:s11+$0xF0] =	vst v16  }
0x185: {  	v62 =	vadd.s32 s28, v2;
	v21 =	vadd.s32 v8, v55;
	v19 =	vadd.s32 v10, v55;
	v57 =	vld.idx.msk [tilespmem:v51+s21+$0x0], $0xffff;
	[tilespmem:s22+$0xC0] =	vst v53  }
0x186: {  	v26 =	vmov s28;
	v34 =	vadd.s32 v8, v12;
	v23 =	vadd.s32 v9, v12;
	[tilespmem:s11+$0x60] =	vst v18;
	v60 =	vld.idx.msk [tilespmem:v31+s21+$0x0], $0xffff  }
0x187: {  	v20 =	vadd.s32 v10, v12;
	v12 =	vadd.s32 v11, v12;
	v15 =	vadd.s32 $0x6000, v26;
	v63 =	vld.idx.msk [tilespmem:v17+s21+$0x0], $0xffff;
	[tilespmem:s25+$0x90] =	vst v54  }
0x188: {  	v16 =	vadd.s32 v9, v55;
	v18 =	vadd.s32 v9, v15;
	v44 =	vld.idx.msk [tilespmem:v24+s21+$0x0], $0xffff;
	[tilespmem:s8+$0x30B0] =	vst v14  }
0x189: {  	v17 =	vadd.s32 $0x3000, v26;
	v24 =	vadd.s32 v8, v15;
	v14 =	vadd.s32 v11, v55;
	v43 =	vld.idx.msk [tilespmem:v59+s21+$0x0], $0xffff;
	[tilespmem:s25+$0x10] =	vst v58  }
0x18a: {  	v33 =	vadd.s32 v4, v17;
	v31 =	vadd.s32 v5, v17;
	v38 =	vld.idx.msk [tilespmem:v62+s21+$0x0], $0xffff;
	[tilespmem:s11+$0x3080] =	vst v57  }
0x18b: {  	v41 =	vadd.s32 s24, v3;
	v27 =	vadd.s32 v6, v17;
	v26 =	vadd.s32 v7, v17;
	v42 =	vld.idx.msk [tilespmem:v61+s21+$0x0], $0xffff;
	[tilespmem:s22+$0x40] =	vst v60  }
0x18c: {  	v35 =	vadd.s32 s28, v3;
	s2 =	simm.s32 $0x500;
	s23 =	simm.s32 $0x18880;
	s28 =	simm.s32 $0xC;
	v17 =	vadd.s32 v10, v15;
	v15 =	vadd.s32 v11, v15;
	[tilespmem:s22+$0xD0] =	vst v63;
	v39 =	vld.idx.msk [tilespmem:v56+s21+$0x0], $0xffff  }
.LBB2_5:
0x18d: {  	p0 =	slt.u32 s28, $0x5E;
	v46 =	vadd.s32 s2, v0;
	v47 =	vadd.s32 s2, v1;
	v48 =	vadd.s32 s2, v2;
	s12 =	sadd.s32 $0x80, s2;
	v45 =	vld.idx.msk [tilespmem:v45+s21+$0x0], $0xffff;
	[tilespmem:s8+$0x3010] =	vst v37  }
0x18e: {  	v37 =	vmov s2;
	v49 =	vadd.s32 s2, v3;
	v50 =	vadd.s32 s12, v0;
	[tilespmem:s11+$0x70] =	vst v44;
	v44 =	vld.idx.msk [tilespmem:v32+s21+$0x0], $0xffff;
	v32 =	vmovc v20;
	v20 =	vmovc v19  }
0x18f: {  	v19 =	vadd.s32 $0x3000, v37;
	v37 =	vadd.s32 $0x6000, v37;
	[tilespmem:s25+$0xA0] =	vst v43;
	v43 =	vadd.s32 v7, v29;
	v51 =	vld.idx.msk [tilespmem:v34+s21+$0x0], $0xffff;
	v34 =	vmovc v21  }
0x190: {  	v54 =	vmov s24;
	s24 =	smov.u32 s12;
	v52 =	vadd.s32 v4, v19;
	v53 =	vadd.s32 v5, v19;
	v21 =	vmovc v24;
	v41 =	vld.idx.msk [tilespmem:v41+s21+$0x0], $0xffff;
	[tilespmem:s11+$0x3090] =	vst v42  }
0x191: {  	v55 =	vadd.s32 v7, v19;
	v29 =	vadd.s32 $0x3000, v54;
	v42 =	vadd.s32 v6, v19;
	[tilespmem:s25+$0x20] =	vst v38;
	v38 =	vld.idx.msk [tilespmem:v40+s21+$0x0], $0xffff  }
0x192: {  	v24 =	vadd.s32 v8, v37;
	v19 =	vmov v17;
	v40 =	vld.idx.msk [tilespmem:v46+s21+$0x0], $0xffff;
	v46 =	vadd.s32 v4, v29;
	[tilespmem:s22+$0x50] =	vst v39  }
0x193: {  	v39 =	vadd.s32 v9, v37;
	v50 =	vld.idx.msk [tilespmem:v50+s21+$0x0], $0xffff;
	[tilespmem:s22+$0xE0] =	vst v45;
	v45 =	vadd.s32 v11, v30  }
0x194: {  	v56 =	vadd.s32 v11, v37;
	v17 =	vadd.s32 v10, v37;
	v43 =	vld.idx.msk [tilespmem:v43+s21+$0x0], $0xffff;
	[tilespmem:s8+$0x3020] =	vst v44  }
0x195: {  	v30 =	vadd.s32 $0x6000, v22;
	v22 =	vmovc v54;
	v44 =	vadd.s32 s24, v1;
	v57 =	vld.idx.msk [tilespmem:v35+s21+$0x0], $0xffff;
	[tilespmem:s11+$0x3000] =	vst v51;
	v35 =	vmov v49  }
0x196: {  	v49 =	vadd.s32 v8, v30;
	[tilespmem:s25+$0xB0] =	vst v41;
	v41 =	vld.idx.msk [tilespmem:v28+s21+$0x0], $0xffff;
	v28 =	vmov v27;
	v27 =	vmov v42  }
0x197: {  	v42 =	vld.idx.msk [tilespmem:v46+s21+$0x0], $0xffff;
	[tilespmem:s11+$0x30A0] =	vst v38  }
0x198: {  	s25 =	sadd.s32 $0x100, s25;
	v38 =	vld.idx.msk [tilespmem:v45+s21+$0x0], $0xffff;
	[tilespmem:s17+$0x3030] =	vst v36;
	s17 =	smov.u32 s8;
	s8 =	smov.u32 s11  }
0x199: {  	v36 =	vadd.s32 v5, v29;
	s11 =	smov.u32 s22;
	s22 =	smov.u32 s23;
	s23 =	smov.u32 s25;
	[tilespmem:s25+$0x80] =	vst v50;
	v37 =	vld.idx.msk [tilespmem:v23+s21+$0x0], $0xffff;
	v23 =	vmovc v16;
	v16 =	vmov v18;
	v18 =	vmov v39  }
0x19a: {  	v39 =	vld.idx.msk [tilespmem:v44+s21+$0x0], $0xffff;
	[tilespmem:s11+$0xF0] =	vst v43  }
0x19b: {  	[tilespmem:s25+$0x0] =	vst v40;
	v40 =	vld.idx.msk [tilespmem:v49+s21+$0x0], $0xffff  }
0x19c: {  	v43 =	vadd.s32 s24, v2;
	v46 =	vld.idx.msk [tilespmem:v47+s21+$0x0], $0xffff;
	[tilespmem:s22+$0x30] =	vst v57  }
0x19d: {  	v47 =	vld.idx.msk [tilespmem:v33+s21+$0x0], $0xffff;
	[tilespmem:s22+$0xC0] =	vst v42;
	v42 =	vadd.s32 v9, v30;
	v33 =	vmov v52  }
0x19e: {  	v49 =	vld.idx.msk [tilespmem:v36+s21+$0x0], $0xffff;
	[tilespmem:s8+$0x30B0] =	vst v38  }
0x19f: {  	[tilespmem:s11+$0x60] =	vst v41;
	v36 =	vld.idx.msk [tilespmem:v13+s21+$0x0], $0xffff;
	v13 =	vmovc v12;
	v12 =	vmov v14;
	v14 =	vmov v15;
	v15 =	vmov v56  }
.Ltmp1:
0x1a0: {  	v45 =	vadd.s32 v6, v29;
	[tilespmem:s25+$0x90] =	vst v39;
	v44 =	vld.idx.msk [tilespmem:v25+s21+$0x0], $0xffff;
	v25 =	vmov v26;
	v26 =	vmov v55;
	(pc) =	sbr.rel @p0 .LBB2_5-.Ltmp1, $4  }
0x1a1: {  	v43 =	vld.idx.msk [tilespmem:v43+s21+$0x0], $0xffff;
	[tilespmem:s11+$0x3080] =	vst v40  }
0x1a2: {  	[tilespmem:s25+$0x10] =	vst v46;
	v42 =	vld.idx.msk [tilespmem:v42+s21+$0x0], $0xffff  }
0x1a3: {  	v41 =	vadd.s32 s24, v3;
	v38 =	vld.idx.msk [tilespmem:v48+s21+$0x0], $0xffff;
	[tilespmem:s22+$0x40] =	vst v47  }
0x1a4: {  	s2 =	sshll.u32 s28, $0x7;
	s28 =	sadd.s32 $0x2, s28;
	v40 =	vadd.s32 v10, v30;
	v39 =	vld.idx.msk [tilespmem:v31+s21+$0x0], $0xffff;
	[tilespmem:s22+$0xD0] =	vst v49;
	v31 =	vmov v53  }
0x1a5: {  	s12 =	sadd.s32 $0x80, s2  }
0x1a6: {  	v46 =	vadd.s32 s12, v0  }
0x1a7: {  	v47 =	vadd.s32 s2, v0;
	_ =	sdelay $0x3  }
0x1a8: {  	v46 =	vld.idx.msk [tilespmem:v46+s21+$0x0], $0xffff  }
0x1a9: {  	v48 =	vadd.s32 s12, v1;
	v47 =	vld.idx.msk [tilespmem:v47+s21+$0x0], $0xffff  }
0x1aa: {  	v49 =	vadd.s32 s2, v1;
	_ =	sdelay $0x1  }
0x1ab: {  	s28 =	sadd.s32 $0x100, s25;
	[tilespmem:s8+$0x3010] =	vst v37  }
0x1ac: {  	[tilespmem:s28+$0x80] =	vst v46  }
0x1ad: {  	[tilespmem:s28+$0x0] =	vst v47;
	v62 =	vld.idx.msk [tilespmem:v48+s21+$0x0], $0xffff  }
0x1ae: {  	[tilespmem:s11+$0x70] =	vst v44;
	v63 =	vadd.s32 s12, v2;
	v48 =	vld.idx.msk [tilespmem:v49+s21+$0x0], $0xffff  }
0x1af: {  	[tilespmem:s17+$0x3030] =	vst v36;
	v49 =	vadd.s32 s2, v2  }
0x1b0: {  	[tilespmem:s25+$0xA0] =	vst v43  }
0x1b1: {  	v50 =	vld.idx.msk [tilespmem:v45+s21+$0x0], $0xffff;
	[tilespmem:s11+$0x3090] =	vst v42  }
0x1b2: {  	v32 =	vld.idx.msk [tilespmem:v32+s21+$0x0], $0xffff;
	[tilespmem:s28+$0x90] =	vst v62  }
0x1b3: {  	[tilespmem:s28+$0x10] =	vst v48;
	v37 =	vld.idx.msk [tilespmem:v63+s21+$0x0], $0xffff  }
0x1b4: {  	v51 =	vadd.s32 s12, v3;
	[tilespmem:s25+$0x20] =	vst v38;
	v52 =	vld.idx.msk [tilespmem:v49+s21+$0x0], $0xffff  }
0x1b5: {  	v53 =	vadd.s32 s2, v3;
	v34 =	vld.idx.msk [tilespmem:v34+s21+$0x0], $0xffff;
	[tilespmem:s22+$0x50] =	vst v39  }
0x1b6: {  	v41 =	vld.idx.msk [tilespmem:v41+s21+$0x0], $0xffff;
	[tilespmem:s22+$0xE0] =	vst v50  }
0x1b7: {  	v29 =	vadd.s32 v7, v29;
	v42 =	vmov s24;
	v35 =	vld.idx.msk [tilespmem:v35+s21+$0x0], $0xffff;
	[tilespmem:s8+$0x3020] =	vst v32  }
0x1b8: {  	v43 =	vadd.s32 $0x3000, v42;
	v40 =	vld.idx.msk [tilespmem:v40+s21+$0x0], $0xffff;
	[tilespmem:s28+$0xA0] =	vst v37;
	v37 =	vmov s12  }
0x1b9: {  	v45 =	vmov s2;
	v54 =	vadd.s32 v4, v43;
	[tilespmem:s28+$0x20] =	vst v52;
	v55 =	vld.idx.msk [tilespmem:v51+s21+$0x0], $0xffff;
	v38 =	vadd.s32 $0x3000, v37  }
0x1ba: {  	[tilespmem:s11+$0x3000] =	vst v34;
	v46 =	vadd.s32 $0x3000, v45;
	v57 =	vld.idx.msk [tilespmem:v53+s21+$0x0], $0xffff;
	v56 =	vadd.s32 v4, v38  }
0x1bb: {  	v28 =	vld.idx.msk [tilespmem:v28+s21+$0x0], $0xffff;
	[tilespmem:s25+$0xB0] =	vst v41;
	v58 =	vadd.s32 v4, v46  }
0x1bc: {  	v29 =	vld.idx.msk [tilespmem:v29+s21+$0x0], $0xffff;
	[tilespmem:s23+$0x30] =	vst v35  }
0x1bd: {  	[tilespmem:s11+$0x30A0] =	vst v40;
	v33 =	vld.idx.msk [tilespmem:v33+s21+$0x0], $0xffff  }
0x1be: {  	v32 =	vld.idx.msk [tilespmem:v54+s21+$0x0], $0xffff;
	[tilespmem:s28+$0xB0] =	vst v55  }
0x1bf: {  	v59 =	vadd.s32 v5, v43;
	[tilespmem:s28+$0x30] =	vst v57;
	v61 =	vld.idx.msk [tilespmem:v56+s21+$0x0], $0xffff  }
0x1c0: {  	[tilespmem:s22+$0x60] =	vst v28;
	v62 =	vadd.s32 v5, v38;
	v63 =	vld.idx.msk [tilespmem:v58+s21+$0x0], $0xffff  }
0x1c1: {  	v23 =	vld.idx.msk [tilespmem:v23+s21+$0x0], $0xffff;
	[tilespmem:s22+$0xF0] =	vst v29;
	v44 =	vadd.s32 v5, v46  }
0x1c2: {  	v30 =	vadd.s32 v11, v30;
	v13 =	vld.idx.msk [tilespmem:v13+s21+$0x0], $0xffff;
	[tilespmem:s23+$0x40] =	vst v33  }
0x1c3: {  	[tilespmem:s23+$0xC0] =	vst v32;
	v31 =	vld.idx.msk [tilespmem:v31+s21+$0x0], $0xffff  }
0x1c4: {  	v32 =	vld.idx.msk [tilespmem:v59+s21+$0x0], $0xffff;
	[tilespmem:s28+$0xC0] =	vst v61  }
0x1c5: {  	v48 =	vadd.s32 v6, v43;
	[tilespmem:s28+$0x40] =	vst v63;
	v49 =	vld.idx.msk [tilespmem:v62+s21+$0x0], $0xffff  }
0x1c6: {  	[tilespmem:s11+$0x3010] =	vst v23;
	v50 =	vadd.s32 v6, v38;
	v51 =	vld.idx.msk [tilespmem:v44+s21+$0x0], $0xffff  }
0x1c7: {  	v22 =	vadd.s32 $0x6000, v22;
	v30 =	vld.idx.msk [tilespmem:v30+s21+$0x0], $0xffff;
	[tilespmem:s8+$0x3030] =	vst v13;
	v52 =	vadd.s32 v6, v46  }
0x1c8: {  	v60 =	vadd.s32 v8, v22;
	v25 =	vld.idx.msk [tilespmem:v25+s21+$0x0], $0xffff;
	[tilespmem:s23+$0x50] =	vst v31  }
0x1c9: {  	[tilespmem:s23+$0xD0] =	vst v32;
	v27 =	vld.idx.msk [tilespmem:v27+s21+$0x0], $0xffff  }
0x1ca: {  	v54 =	vld.idx.msk [tilespmem:v48+s21+$0x0], $0xffff;
	[tilespmem:s28+$0xD0] =	vst v49  }
0x1cb: {  	v55 =	vadd.s32 v7, v43;
	[tilespmem:s28+$0x50] =	vst v51;
	v56 =	vld.idx.msk [tilespmem:v50+s21+$0x0], $0xffff  }
0x1cc: {  	[tilespmem:s11+$0x30B0] =	vst v30;
	v57 =	vadd.s32 v7, v38;
	v58 =	vld.idx.msk [tilespmem:v52+s21+$0x0], $0xffff  }
0x1cd: {  	v47 =	vld.idx.msk [tilespmem:v60+s21+$0x0], $0xffff;
	v59 =	vadd.s32 v7, v46;
	[tilespmem:s22+$0x70] =	vst v25  }
0x1ce: {  	v20 =	vld.idx.msk [tilespmem:v20+s21+$0x0], $0xffff;
	[tilespmem:s23+$0x60] =	vst v27  }
0x1cf: {  	[tilespmem:s23+$0xE0] =	vst v54;
	v26 =	vld.idx.msk [tilespmem:v26+s21+$0x0], $0xffff  }
0x1d0: {  	v61 =	vld.idx.msk [tilespmem:v55+s21+$0x0], $0xffff;
	v62 =	vadd.s32 $0x6000, v42;
	[tilespmem:s28+$0xE0] =	vst v56  }
0x1d1: {  	v39 =	vadd.s32 $0x6000, v37;
	v63 =	vadd.s32 v8, v62;
	[tilespmem:s28+$0x60] =	vst v58;
	v38 =	vld.idx.msk [tilespmem:v57+s21+$0x0], $0xffff  }
0x1d2: {  	v41 =	vadd.s32 $0x6000, v45;
	[tilespmem:s22+$0x3080] =	vst v47;
	v40 =	vadd.s32 v8, v39;
	v28 =	vld.idx.msk [tilespmem:v59+s21+$0x0], $0xffff  }
0x1d3: {  	v21 =	vld.idx.msk [tilespmem:v21+s21+$0x0], $0xffff;
	[tilespmem:s11+$0x3020] =	vst v20;
	v42 =	vadd.s32 v8, v41  }
0x1d4: {  	v12 =	vld.idx.msk [tilespmem:v12+s21+$0x0], $0xffff;
	[tilespmem:s23+$0x70] =	vst v26  }
0x1d5: {  	v53 =	vadd.s32 v9, v22;
	v24 =	vld.idx.msk [tilespmem:v24+s21+$0x0], $0xffff;
	[tilespmem:s23+$0xF0] =	vst v61  }
0x1d6: {  	v43 =	vld.idx.msk [tilespmem:v63+s21+$0x0], $0xffff;
	[tilespmem:s28+$0xF0] =	vst v38  }
0x1d7: {  	v45 =	vadd.s32 v9, v62;
	[tilespmem:s28+$0x70] =	vst v28;
	v46 =	vld.idx.msk [tilespmem:v40+s21+$0x0], $0xffff  }
0x1d8: {  	[tilespmem:s22+$0x3000] =	vst v21;
	v47 =	vadd.s32 v9, v39;
	v48 =	vld.idx.msk [tilespmem:v42+s21+$0x0], $0xffff  }
0x1d9: {  	v16 =	vld.idx.msk [tilespmem:v16+s21+$0x0], $0xffff;
	[tilespmem:s11+$0x3030] =	vst v12;
	v49 =	vadd.s32 v9, v41  }
0x1da: {  	v60 =	vld.idx.msk [tilespmem:v53+s21+$0x0], $0xffff;
	[tilespmem:s23+$0x3000] =	vst v24  }
0x1db: {  	v36 =	vadd.s32 v10, v22;
	v18 =	vld.idx.msk [tilespmem:v18+s21+$0x0], $0xffff;
	[tilespmem:s23+$0x3080] =	vst v43  }
0x1dc: {  	v51 =	vld.idx.msk [tilespmem:v45+s21+$0x0], $0xffff;
	[tilespmem:s28+$0x3080] =	vst v46  }
0x1dd: {  	v52 =	vadd.s32 v10, v62;
	[tilespmem:s28+$0x3000] =	vst v48;
	v53 =	vld.idx.msk [tilespmem:v47+s21+$0x0], $0xffff  }
0x1de: {  	v54 =	vadd.s32 v10, v39;
	[tilespmem:s22+$0x3010] =	vst v16;
	v55 =	vld.idx.msk [tilespmem:v49+s21+$0x0], $0xffff  }
0x1df: {  	v19 =	vld.idx.msk [tilespmem:v19+s21+$0x0], $0xffff;
	[tilespmem:s22+$0x3090] =	vst v60;
	v56 =	vadd.s32 v10, v41  }
0x1e0: {  	v44 =	vld.idx.msk [tilespmem:v36+s21+$0x0], $0xffff;
	[tilespmem:s23+$0x3010] =	vst v18  }
0x1e1: {  	v50 =	vadd.s32 v11, v22;
	v17 =	vld.idx.msk [tilespmem:v17+s21+$0x0], $0xffff;
	[tilespmem:s23+$0x3090] =	vst v51  }
0x1e2: {  	v57 =	vld.idx.msk [tilespmem:v52+s21+$0x0], $0xffff;
	[tilespmem:s28+$0x3090] =	vst v53  }
0x1e3: {  	v58 =	vadd.s32 v11, v62;
	[tilespmem:s28+$0x3010] =	vst v55;
	v59 =	vld.idx.msk [tilespmem:v54+s21+$0x0], $0xffff  }
0x1e4: {  	v60 =	vadd.s32 v11, v39;
	[tilespmem:s22+$0x3020] =	vst v19;
	v13 =	vld.idx.msk [tilespmem:v56+s21+$0x0], $0xffff  }
0x1e5: {  	v14 =	vld.idx.msk [tilespmem:v14+s21+$0x0], $0xffff;
	v61 =	vadd.s32 v11, v41;
	[tilespmem:s22+$0x30A0] =	vst v44  }
0x1e6: {  	v20 =	vld.idx.msk [tilespmem:v50+s21+$0x0], $0xffff;
	[tilespmem:s23+$0x3020] =	vst v17  }
0x1e7: {  	v15 =	vld.idx.msk [tilespmem:v15+s21+$0x0], $0xffff;
	[tilespmem:s23+$0x30A0] =	vst v57  }
0x1e8: {  	v16 =	vld.idx.msk [tilespmem:v58+s21+$0x0], $0xffff;
	[tilespmem:s28+$0x30A0] =	vst v59  }
0x1e9: {  	[tilespmem:s28+$0x3020] =	vst v13;
	v62 =	vld.idx.msk [tilespmem:v60+s21+$0x0], $0xffff  }
0x1ea: {  	[tilespmem:s22+$0x3030] =	vst v14;
	v63 =	vld.idx.msk [tilespmem:v61+s21+$0x0], $0xffff  }
0x1eb: {  	[tilespmem:s22+$0x30B0] =	vst v20  }
0x1ec: {  	s9 =	sadd.s32 $0x1, s9;
	[tilespmem:s23+$0x3030] =	vst v15  }
0x1ed: {  	p0 =	sne.s32 s9, $0x18;
	[tilespmem:s23+$0x30B0] =	vst v16  }
.Ltmp2:
0x1ee: {  	[tilespmem:s28+$0x30B0] =	vst v62;
	(pc) =	sbr.rel @p0 .LBB2_2-.Ltmp2, $4  }
0x1ef: {  	s29 =	simm.s32 $0x18480;
	[tilespmem:s28+$0x3030] =	vst v63  }
0x1f0: {  	[hbm4b:s3+s14] =	stream.indirect.scatter [tilespmem:s29], [sflag:$0x4], $0x80, s0, s14, $0xb8;
	[tilespmem:$0x1E480] =	vst v63  }
0x1f1: {  	s30 =	simm.s32 $0x360  }
0x1f2: {  	[hbm4b:s3+s14] =	stream.indirect.scatter [tilespmem:s16], [sflag:$0x4], $0x80, s30, s14, $0xb8;
	[tilespmem:$0x1E480] =	vst v63  }
0x1f3: {  	s2 =	simm.s32 $0x3  }
0x1f4: {  	_ =	swait.ge [sflag:s2], $0x3000  }
0x1f5: {  	[sflag:s2] =	ssyncset.done $0x0  }
0x1f6: {  	[sflag:s2] =	ssyncadd.s32 $0xFFFFD000  }
0x1f7: {  	_ =	swait.ge [sflag:s2], $0x3000  }
0x1f8: {  	[sflag:s2] =	ssyncset.done $0x0  }
0x1f9: {  	[sflag:s2] =	ssyncadd.s32 $0xFFFFD000  }
0x1fa: {  	_ =	swait.ge [sflag:s18], $0x3000  }
0x1fb: {  	[sflag:s18] =	ssyncset.done $0x0  }
0x1fc: {  	[sflag:s18] =	ssyncadd.s32 $0xFFFFD000  }
0x1fd: {  	_ =	swait.ge [sflag:s18], $0x3000  }
0x1fe: {  	s8 =	rddreg [dreg:$0x7]  }
0x1ff: {  	s30 =	rddreg [dreg:$0x6];
	s8 =	sadd.s32 $0x1, s8  }
0x200: {  	p0 =	sne.s32 s8, s30  }
.Ltmp3:
0x201: {  	_ = 	snop;
	(pc) =	sbr.rel @p0 .LBB2_1-.Ltmp3, $3  }
0x202: {  	_ =	sdelay $0x1  }
0x203: {  	[sflag:s18] =	ssyncset.done $0x0  }
0x204: {  	[sflag:s18] =	ssyncadd.s32 $0xFFFFD000  }
0x205: {  	_ =	sfence.sel $0x180000  }
0x206: {  	[bflag:$0x0] =	sbarrier.arrive $0xFFFF  }
0x207: {  	_ =	strace $0x90000047  }
0x208: {  	s0 =	stileid.u32;
	[bflag:$0x2] =	sbarrier.arrive $0xFFFF  }
0x209: {  	p0 =	sne.s32 s0, $0x0;
	s0 =	rddreg [dreg:$0x3]  }
0x20a: {  	s0 =	sadd.s32 @!p0 $0x100000, s0  }
0x20b: {  	[sflag:s0] =	ssyncadd.tile.s32 @!p0 $0x1;
	_ =	shalt  }
.Lfunc_end2:
_tile_overlayer_lowered:
.L_overlay_start_2:
0x20c: {  	(tag) =	ssettag $0x2  }
0x20d: {  	s0 =	rddreg [dreg:$0x0];
	s2 =	stileid.u32  }
0x20e: {  	s1 =	rddreg [dreg:$0x1];
	p0 =	sne.s32 s2, $0x0  }
0x20f: {  	s3 =	rddreg [dreg:$0x2];
	[bflag:$0x3] =	sbarrier.arrive $0xFFFF;
	s2 =	simm.s32 @!p0 $0x1C05  }
0x210: {  	[timem:s3], [sflag:s2] =	dma.local @!p0 [hbm:s0], s1  }
0x211: {  	s0 =	simm.s32 @!p0 $0x5  }
0x212: {  	_ =	swait.ge @!p0 [sflag:s0], s1  }
0x213: {  	s1 =	ssub.s32 @!p0 $0x0, s1;
	[sflag:s0] =	ssyncset.done @!p0 $0x0  }
0x214: {  	[sflag:s0] =	ssyncadd.s32 @!p0 s1  }
0x215: {  	[bflag:$0x3] =	sbarrier.arrive $0xFFFF  }
0x216: {  	_ =	shalt  }

</sc_bundles>
